<compile_context>
chip_gen: v7x
topology: tpu7x:2x2x1
jax: 0.10.2.dev20260603
libtpu: 0.0.44.dev20260713+nightly
codegen_flags: <defaults>
</compile_context>

<pallas_src>
import functools

import jax
import jax.numpy as jnp
from jax import lax
from jax.experimental import pallas as pl
from jax.experimental.pallas import tpu as pltpu
from jax.experimental.pallas import tpu_sc as plsc

_N = 10000
_E = 320000
_D = 128

_NC = 2
_NS = 16
_NW = _NC * _NS
_EW = _E // _NW
_C = 80
_NCH = _EW // _C
_NB = 3
_RS = 624
_TAIL = _N - _NS * _RS
_ZR = 104


def _sc_segment_partials(ei_flat, edge_attr):
    mesh = plsc.VectorSubcoreMesh(core_axis_name="c", subcore_axis_name="s")

    @functools.partial(
        pl.kernel,
        mesh=mesh,
        out_type=jax.ShapeDtypeStruct((_NC, _N, _D), jnp.float32),
        scratch_types=[
            pltpu.VMEM((_NB, _C), jnp.int32),
            pltpu.VMEM((_NB, _C, _D), jnp.float32),
            pltpu.VMEM((_ZR, _D), jnp.float32),
            pltpu.VMEM_SHARED((_N, _D), jnp.float32),
            pltpu.SemaphoreType.DMA((_NB,)),
            pltpu.SemaphoreType.DMA((_NB,)),
            pltpu.SemaphoreType.DMA((_NB,)),
        ],
    )
    def k(col_hbm, ea_hbm, out_hbm, idx_v, ebuf, zbuf, agg_sh, sem_i, sem_d,
          sem_s):
        cid = lax.axis_index("c")
        sid = lax.axis_index("s")
        wid = sid * _NC + cid
        ebase = _E + wid * _EW

        def start_load(ch, b):
            off = ebase + ch * _C
            pltpu.make_async_copy(col_hbm.at[pl.ds(off, _C)],
                                  idx_v.at[b], sem_i.at[b]).start()
            pltpu.make_async_copy(ea_hbm.at[pl.ds(off - _E, _C)],
                                  ebuf.at[b], sem_d.at[b]).start()

        def wait_load(b):
            pltpu.make_async_copy(col_hbm.at[pl.ds(0, _C)],
                                  idx_v.at[b], sem_i.at[b]).wait()
            pltpu.make_async_copy(ea_hbm.at[pl.ds(0, _C)],
                                  ebuf.at[b], sem_d.at[b]).wait()

        def fire_scatter(b):
            pltpu.async_copy(ebuf.at[b], agg_sh.at[idx_v.at[b]],
                             sem_s.at[b], add=True)

        def drain_scatter(b):
            pltpu.make_async_copy(ebuf.at[b], agg_sh.at[idx_v.at[b]],
                                  sem_s.at[b]).wait()

        start_load(0, 0)
        start_load(1, 1)

        def zrow(i, carry):
            for j in range(_D // 16):
                zbuf[i, pl.ds(j * 16, 16)] = jnp.zeros((16,), jnp.float32)
            return carry

        lax.fori_loop(0, _ZR, zrow, 0)
        for r in range(_RS // _ZR):
            pltpu.sync_copy(zbuf,
                            agg_sh.at[pl.ds(sid * _RS + r * _ZR, _ZR)])

        @pl.when(sid == _NS - 1)
        def _zero_tail():
            pltpu.sync_copy(zbuf.at[pl.ds(0, _TAIL)],
                            agg_sh.at[pl.ds(_NS * _RS, _TAIL)])

        plsc.subcore_barrier()

        wait_load(0)
        fire_scatter(0)
        start_load(2, 2)

        def body(i, carry):
            for q in range(3):
                t = 3 * i + 1 + q
                bt = (1 + q) % 3
                wait_load(bt)
                fire_scatter(bt)
                drain_scatter(q)

                @pl.when(t + 2 < _NCH)
                def _next():
                    start_load(t + 2, q)
            return carry

        lax.fori_loop(0, (_NCH - 2) // 3, body, 0)
        wait_load(1)
        fire_scatter(1)
        drain_scatter(0)
        drain_scatter(1)
        plsc.subcore_barrier()
        pltpu.sync_copy(agg_sh.at[pl.ds(sid * _RS, _RS)],
                        out_hbm.at[cid, pl.ds(sid * _RS, _RS)])

        @pl.when(sid == _NS - 1)
        def _write_tail():
            pltpu.sync_copy(agg_sh.at[pl.ds(_NS * _RS, _TAIL)],
                            out_hbm.at[cid, pl.ds(_NS * _RS, _TAIL)])

    return k(ei_flat, edge_attr)


def _ln(h, g, b):
    mu = jnp.mean(h, axis=-1, keepdims=True)
    d = h - mu
    var = jnp.mean(d * d, axis=-1, keepdims=True)
    return d * lax.rsqrt(var + 1e-5) * g + b


def _ssp(h):
    return jnp.maximum(h, 0.0) + jnp.log1p(jnp.exp(-jnp.abs(h))) - 0.6931471805599453


def _mlp_body(x_ref, p_ref, w1_ref, b1_ref, g1_ref, be1_ref,
              w2_ref, b2_ref, g2_ref, be2_ref,
              w3_ref, b3_ref, g3_ref, be3_ref, out_ref):
    agg = p_ref[0] + p_ref[1]
    cat = jnp.concatenate([x_ref[...], agg], axis=1)
    h = (jnp.dot(cat, w1_ref[...], preferred_element_type=jnp.float32)
         + b1_ref[...])
    h = _ssp(_ln(h, g1_ref[...], be1_ref[...]))
    h = jnp.dot(h, w2_ref[...], preferred_element_type=jnp.float32) + b2_ref[...]
    h = _ssp(_ln(h, g2_ref[...], be2_ref[...]))
    h = jnp.dot(h, w3_ref[...], preferred_element_type=jnp.float32) + b3_ref[...]
    h = _ssp(_ln(h, g3_ref[...], be3_ref[...]))
    out_ref[...] = h


def _mlp(x, partials, w1, b1, g1, be1, w2, b2, g2, be2, w3, b3, g3, be3):
    bn = 2000
    grid = _N // bn
    full = lambda i: (0, 0)
    vec = pl.BlockSpec((1, _D), full)
    mat = pl.BlockSpec((_D, _D), full)
    return pl.pallas_call(
        _mlp_body,
        grid=(grid,),
        in_specs=[
            pl.BlockSpec((bn, _D), lambda i: (i, 0)),
            pl.BlockSpec((_NC, bn, _D), lambda i: (0, i, 0)),
            pl.BlockSpec((2 * _D, _D), full), vec, vec, vec,
            mat, vec, vec, vec,
            mat, vec, vec, vec,
        ],
        out_specs=pl.BlockSpec((bn, _D), lambda i: (i, 0)),
        out_shape=jax.ShapeDtypeStruct((_N, _D), jnp.float32),
    )(x, partials, w1, b1, g1, be1, w2, b2, g2, be2, w3, b3, g3, be3)


def kernel(x, edge_index, edge_attr, W1, b1, g1, be1, W2, b2, g2, be2, W3, b3, g3, be3):
    partials = _sc_segment_partials(edge_index.reshape(-1), edge_attr)
    r = lambda v: v.reshape(1, _D)
    return _mlp(x, partials, W1, r(b1), r(g1), r(be1),
                W2, r(b2), r(g2), r(be2), W3, r(b3), r(g3), r(be3))

# --- scband reference (transcript-rebuilt; emitter-appended) ---
"""Pipeline reference for scband-node-model-56427280335505 (READ-ONLY COPY).

The authoritative reference and input builder live on the scoring server;
editing this copy changes nothing except your own understanding.
"""

import jax, jax.numpy as jnp
import numpy as np

N = 10000
E = 320000
D = 128


def ssp(x):
    # Shifted SoftPlus: softplus(x) - log(2)
    return jax.nn.softplus(x) - jnp.log(2.0)


def layernorm(x, g, b, eps=1e-5):
    mu = jnp.mean(x, axis=-1, keepdims=True)
    var = jnp.var(x, axis=-1, keepdims=True)
    return (x - mu) / jnp.sqrt(var + eps) * g + b


def setup_inputs(seed: int = 0) -> dict:
    key = jax.random.key(seed)
    ks = jax.random.split(key, 16)
    x = jax.random.normal(ks[0], (N, D), dtype=jnp.float32)
    edge_index = jax.random.randint(ks[1], (2, E), 0, N, dtype=jnp.int32)
    edge_attr = jax.random.normal(ks[2], (E, D), dtype=jnp.float32)
    s1 = 1.0 / np.sqrt(2 * D)
    s2 = 1.0 / np.sqrt(D)
    W1 = jax.random.normal(ks[3], (2 * D, D), dtype=jnp.float32) * s1
    b1 = jnp.zeros((D,), dtype=jnp.float32)
    g1 = jnp.ones((D,), dtype=jnp.float32)
    be1 = jnp.zeros((D,), dtype=jnp.float32)
    W2 = jax.random.normal(ks[4], (D, D), dtype=jnp.float32) * s2
    b2 = jnp.zeros((D,), dtype=jnp.float32)
    g2 = jnp.ones((D,), dtype=jnp.float32)
    be2 = jnp.zeros((D,), dtype=jnp.float32)
    W3 = jax.random.normal(ks[5], (D, D), dtype=jnp.float32) * s2
    b3 = jnp.zeros((D,), dtype=jnp.float32)
    g3 = jnp.ones((D,), dtype=jnp.float32)
    be3 = jnp.zeros((D,), dtype=jnp.float32)
    return {"x": x, "edge_index": edge_index, "edge_attr": edge_attr,
            "W1": W1, "b1": b1, "g1": g1, "be1": be1,
            "W2": W2, "b2": b2, "g2": g2, "be2": be2,
            "W3": W3, "b3": b3, "g3": g3, "be3": be3}


def reference(x, edge_index, edge_attr, W1, b1, g1, be1, W2, b2, g2, be2, W3, b3, g3, be3):
    # row, col = edge_index; scatter_sum(edge_attr, col, dim=0, dim_size=N)
    col = edge_index[1]
    agg = jax.ops.segment_sum(edge_attr, col, num_segments=x.shape[0])
    out = jnp.concatenate([x, agg], axis=1)
    h = ssp(layernorm(out @ W1 + b1, g1, be1))
    h = ssp(layernorm(h @ W2 + b2, g2, be2))
    h = ssp(layernorm(h @ W3 + b3, g3, be3))
    return h

if __name__ == "__main__":
    import jax
    _d = setup_inputs()
    print(jax.jit(kernel)(*tuple(_d.values())))

</pallas_src>

<mosaic_0001>
#map = affine_map<(d0, d1) -> (0)>
#map1 = affine_map<(d0, d1) -> (0, 0)>
#map2 = affine_map<(d0, d1) -> (0, 0, 0)>
module attributes {stable_mosaic.version = 14 : i64} {
  func.func @k(%arg0: i32, %arg1: i32, %arg2: memref<640000xi32, #tpu.memory_space<hbm>>, %arg3: memref<320000x128xf32, #tpu.memory_space<hbm>>, %arg4: memref<2x10000x128xf32, #tpu.memory_space<hbm>>, %arg5: memref<3x80xi32, #tpu.memory_space<vmem>>, %arg6: memref<3x80x128xf32, #tpu.memory_space<vmem>>, %arg7: memref<104x128xf32, #tpu.memory_space<vmem>>, %arg8: memref<10000x128xf32, #tpu.memory_space<vmem_shared>>, %arg9: memref<3x!tpu.dma_semaphore, #tpu.memory_space<semaphore_mem>>, %arg10: memref<3x!tpu.dma_semaphore, #tpu.memory_space<semaphore_mem>>, %arg11: memref<3x!tpu.dma_semaphore, #tpu.memory_space<semaphore_mem>>) attributes {dimension_semantics = [#tpu.dimension_semantics<core_parallel>, #tpu.dimension_semantics<subcore_parallel>], iteration_bounds = array<i64: 2, 16>, scalar_prefetch = 0 : i64, scratch_operands = 7 : i64, tpu.core_type = #tpu.core_type<sc_vector_subcore>, window_params = [{transform_indices = #map}, {transform_indices = #map1}, {transform_indices = #map2}]} {
    %mul3A = arith.constant 2 : i32
    %mul3A_0 = arith.muli %arg1, %mul3A : i32
    %add3A = arith.addi %mul3A_0, %arg0 : i32
    %mul3A_1 = arith.constant 10000 : i32
    %mul3A_2 = arith.muli %add3A, %mul3A_1 : i32
    %add3A_3 = arith.constant 320000 : i32
    %add3A_4 = arith.addi %add3A_3, %mul3A_2 : i32
    %add3A_5 = arith.constant 0 : i32
    %add3A_6 = arith.addi %add3A_4, %add3A_5 : i32
    %dma_start3A = arith.constant 0 : i32
    %dma_start3A_7 = arith.constant 0 : i32
    %dma_start3A_8 = arith.constant 0 : i32
    %dma_start3A_9 = tpu.memref_slice %arg5[%dma_start3A, %dma_start3A_8] : memref<3x80xi32, #tpu.memory_space<vmem>> -> memref<1x80xi32, #tpu.memory_space<vmem>>
    %dma_start3A_10 = tpu.memref_squeeze %dma_start3A_9 : memref<1x80xi32, #tpu.memory_space<vmem>> -> memref<80xi32, #tpu.memory_space<vmem>>
    %dma_start3A_11 = tpu.memref_slice %arg2[%add3A_6] : memref<640000xi32, #tpu.memory_space<hbm>> -> memref<80xi32, #tpu.memory_space<hbm>>
    %dma_start3A_12 = tpu.memref_slice %arg9[%dma_start3A_7] : memref<3x!tpu.dma_semaphore, #tpu.memory_space<semaphore_mem>> -> memref<1x!tpu.dma_semaphore, #tpu.memory_space<semaphore_mem>>
    %dma_start3A_13 = tpu.memref_squeeze %dma_start3A_12 : memref<1x!tpu.dma_semaphore, #tpu.memory_space<semaphore_mem>> -> memref<!tpu.dma_semaphore, #tpu.memory_space<semaphore_mem>>
    %dma_start3A_14 = arith.constant 0 : i32
    %dma_start3A_15 = tpu.memref_slice %arg5[%dma_start3A, %dma_start3A_14] : memref<3x80xi32, #tpu.memory_space<vmem>> -> memref<1x80xi32, #tpu.memory_space<vmem>>
    %dma_start3A_16 = tpu.memref_squeeze %dma_start3A_15 : memref<1x80xi32, #tpu.memory_space<vmem>> -> memref<80xi32, #tpu.memory_space<vmem>>
    %dma_start3A_17 = tpu.memref_slice %arg2[%add3A_6] : memref<640000xi32, #tpu.memory_space<hbm>> -> memref<80xi32, #tpu.memory_space<hbm>>
    tpu.enqueue_dma source(%dma_start3A_17 : memref<80xi32, #tpu.memory_space<hbm>>) target(%dma_start3A_16 : memref<80xi32, #tpu.memory_space<vmem>>) target_semaphore(%dma_start3A_13 : memref<!tpu.dma_semaphore, #tpu.memory_space<semaphore_mem>>)
    %sub3A = arith.constant 320000 : i32
    %sub3A_18 = arith.subi %add3A_6, %sub3A : i32
    %dma_start3A_19 = arith.constant 0 : i32
    %dma_start3A_20 = arith.constant 0 : i32
    %dma_start3A_21 = arith.constant 0 : i32
    %dma_start3A_22 = arith.constant 0 : i32
    %dma_start3A_23 = tpu.memref_slice %arg6[%dma_start3A_19, %dma_start3A_21, %dma_start3A_22] : memref<3x80x128xf32, #tpu.memory_space<vmem>> -> memref<1x80x128xf32, #tpu.memory_space<vmem>>
    %dma_start3A_24 = tpu.memref_squeeze %dma_start3A_23 : memref<1x80x128xf32, #tpu.memory_space<vmem>> -> memref<80x128xf32, #tpu.memory_space<vmem>>
    %dma_start3A_25 = arith.constant 0 : i32
    %dma_start3A_26 = tpu.memref_slice %arg3[%sub3A_18, %dma_start3A_25] : memref<320000x128xf32, #tpu.memory_space<hbm>> -> memref<80x128xf32, #tpu.memory_space<hbm>>
    %dma_start3A_27 = tpu.memref_slice %arg10[%dma_start3A_20] : memref<3x!tpu.dma_semaphore, #tpu.memory_space<semaphore_mem>> -> memref<1x!tpu.dma_semaphore, #tpu.memory_space<semaphore_mem>>
    %dma_start3A_28 = tpu.memref_squeeze %dma_start3A_27 : memref<1x!tpu.dma_semaphore, #tpu.memory_space<semaphore_mem>> -> memref<!tpu.dma_semaphore, #tpu.memory_space<semaphore_mem>>
    %dma_start3A_29 = arith.constant 0 : i32
    %dma_start3A_30 = arith.constant 0 : i32
    %dma_start3A_31 = tpu.memref_slice %arg6[%dma_start3A_19, %dma_start3A_29, %dma_start3A_30] : memref<3x80x128xf32, #tpu.memory_space<vmem>> -> memref<1x80x128xf32, #tpu.memory_space<vmem>>
    %dma_start3A_32 = tpu.memref_squeeze %dma_start3A_31 : memref<1x80x128xf32, #tpu.memory_space<vmem>> -> memref<80x128xf32, #tpu.memory_space<vmem>>
    %dma_start3A_33 = arith.constant 0 : i32
    %dma_start3A_34 = tpu.memref_slice %arg3[%sub3A_18, %dma_start3A_33] : memref<320000x128xf32, #tpu.memory_space<hbm>> -> memref<80x128xf32, #tpu.memory_space<hbm>>
    tpu.enqueue_dma source(%dma_start3A_34 : memref<80x128xf32, #tpu.memory_space<hbm>>) target(%dma_start3A_32 : memref<80x128xf32, #tpu.memory_space<vmem>>) target_semaphore(%dma_start3A_28 : memref<!tpu.dma_semaphore, #tpu.memory_space<semaphore_mem>>)
    %add3A_35 = arith.constant 80 : i32
    %add3A_36 = arith.addi %add3A_4, %add3A_35 : i32
    %dma_start3A_37 = arith.constant 1 : i32
    %dma_start3A_38 = arith.constant 1 : i32
    %dma_start3A_39 = arith.constant 0 : i32
    %dma_start3A_40 = tpu.memref_slice %arg5[%dma_start3A_37, %dma_start3A_39] : memref<3x80xi32, #tpu.memory_space<vmem>> -> memref<1x80xi32, #tpu.memory_space<vmem>>
    %dma_start3A_41 = tpu.memref_squeeze %dma_start3A_40 : memref<1x80xi32, #tpu.memory_space<vmem>> -> memref<80xi32, #tpu.memory_space<vmem>>
    %dma_start3A_42 = tpu.memref_slice %arg2[%add3A_36] : memref<640000xi32, #tpu.memory_space<hbm>> -> memref<80xi32, #tpu.memory_space<hbm>>
    %dma_start3A_43 = tpu.memref_slice %arg9[%dma_start3A_38] : memref<3x!tpu.dma_semaphore, #tpu.memory_space<semaphore_mem>> -> memref<1x!tpu.dma_semaphore, #tpu.memory_space<semaphore_mem>>
    %dma_start3A_44 = tpu.memref_squeeze %dma_start3A_43 : memref<1x!tpu.dma_semaphore, #tpu.memory_space<semaphore_mem>> -> memref<!tpu.dma_semaphore, #tpu.memory_space<semaphore_mem>>
    %dma_start3A_45 = arith.constant 0 : i32
    %dma_start3A_46 = tpu.memref_slice %arg5[%dma_start3A_37, %dma_start3A_45] : memref<3x80xi32, #tpu.memory_space<vmem>> -> memref<1x80xi32, #tpu.memory_space<vmem>>
    %dma_start3A_47 = tpu.memref_squeeze %dma_start3A_46 : memref<1x80xi32, #tpu.memory_space<vmem>> -> memref<80xi32, #tpu.memory_space<vmem>>
    %dma_start3A_48 = tpu.memref_slice %arg2[%add3A_36] : memref<640000xi32, #tpu.memory_space<hbm>> -> memref<80xi32, #tpu.memory_space<hbm>>
    tpu.enqueue_dma source(%dma_start3A_48 : memref<80xi32, #tpu.memory_space<hbm>>) target(%dma_start3A_47 : memref<80xi32, #tpu.memory_space<vmem>>) target_semaphore(%dma_start3A_44 : memref<!tpu.dma_semaphore, #tpu.memory_space<semaphore_mem>>)
    %sub3A_49 = arith.constant 320000 : i32
    %sub3A_50 = arith.subi %add3A_36, %sub3A_49 : i32
    %dma_start3A_51 = arith.constant 1 : i32
    %dma_start3A_52 = arith.constant 1 : i32
    %dma_start3A_53 = arith.constant 0 : i32
    %dma_start3A_54 = arith.constant 0 : i32
    %dma_start3A_55 = tpu.memref_slice %arg6[%dma_start3A_51, %dma_start3A_53, %dma_start3A_54] : memref<3x80x128xf32, #tpu.memory_space<vmem>> -> memref<1x80x128xf32, #tpu.memory_space<vmem>>
    %dma_start3A_56 = tpu.memref_squeeze %dma_start3A_55 : memref<1x80x128xf32, #tpu.memory_space<vmem>> -> memref<80x128xf32, #tpu.memory_space<vmem>>
    %dma_start3A_57 = arith.constant 0 : i32
    %dma_start3A_58 = tpu.memref_slice %arg3[%sub3A_50, %dma_start3A_57] : memref<320000x128xf32, #tpu.memory_space<hbm>> -> memref<80x128xf32, #tpu.memory_space<hbm>>
    %dma_start3A_59 = tpu.memref_slice %arg10[%dma_start3A_52] : memref<3x!tpu.dma_semaphore, #tpu.memory_space<semaphore_mem>> -> memref<1x!tpu.dma_semaphore, #tpu.memory_space<semaphore_mem>>
    %dma_start3A_60 = tpu.memref_squeeze %dma_start3A_59 : memref<1x!tpu.dma_semaphore, #tpu.memory_space<semaphore_mem>> -> memref<!tpu.dma_semaphore, #tpu.memory_space<semaphore_mem>>
    %dma_start3A_61 = arith.constant 0 : i32
    %dma_start3A_62 = arith.constant 0 : i32
    %dma_start3A_63 = tpu.memref_slice %arg6[%dma_start3A_51, %dma_start3A_61, %dma_start3A_62] : memref<3x80x128xf32, #tpu.memory_space<vmem>> -> memref<1x80x128xf32, #tpu.memory_space<vmem>>
    %dma_start3A_64 = tpu.memref_squeeze %dma_start3A_63 : memref<1x80x128xf32, #tpu.memory_space<vmem>> -> memref<80x128xf32, #tpu.memory_space<vmem>>
    %dma_start3A_65 = arith.constant 0 : i32
    %dma_start3A_66 = tpu.memref_slice %arg3[%sub3A_50, %dma_start3A_65] : memref<320000x128xf32, #tpu.memory_space<hbm>> -> memref<80x128xf32, #tpu.memory_space<hbm>>
    tpu.enqueue_dma source(%dma_start3A_66 : memref<80x128xf32, #tpu.memory_space<hbm>>) target(%dma_start3A_64 : memref<80x128xf32, #tpu.memory_space<vmem>>) target_semaphore(%dma_start3A_60 : memref<!tpu.dma_semaphore, #tpu.memory_space<semaphore_mem>>)
    %scan3A = arith.constant 0 : i32
    %scan3A_67 = arith.constant 0 : i32
    %scan3A_68 = arith.constant 104 : i32
    %scan3A_69 = arith.addi %scan3A_67, %scan3A_68 : i32
    %scan3A_70 = arith.constant 1 : i32
    scf.for %scan3A_269 = %scan3A_67 to %scan3A_69 step %scan3A_70  : i32 {
      %broadcast_in_dim3A = arith.constant 0.000000e+00 : f32
      %broadcast_in_dim3A_270 = vector.broadcast %broadcast_in_dim3A : f32 to vector<16xf32>
      %swap3A = arith.index_cast %scan3A_269 : i32 to index
      %swap3A_271 = arith.constant 0 : index
      %swap3A_272 = tpu.vector_load %arg7[%swap3A, %swap3A_271] {strides = array<i32>} : memref<104x128xf32, #tpu.memory_space<vmem>>, vector<1x16xf32>,
      %swap3A_273 = vector.shape_cast %swap3A_272 : vector<1x16xf32> to vector<16xf32>
      %swap3A_274 = vector.shape_cast %broadcast_in_dim3A_270 : vector<16xf32> to vector<1x16xf32>
      tpu.vector_store %arg7[%swap3A, %swap3A_271], %swap3A_274 {strides = array<i32>} : memref<104x128xf32, #tpu.memory_space<vmem>>, vector<1x16xf32>,
      %broadcast_in_dim3A_275 = arith.constant 0.000000e+00 : f32
      %broadcast_in_dim3A_276 = vector.broadcast %broadcast_in_dim3A_275 : f32 to vector<16xf32>
      %swap3A_277 = arith.index_cast %scan3A_269 : i32 to index
      %swap3A_278 = arith.constant 16 : index
      %swap3A_279 = tpu.vector_load %arg7[%swap3A_277, %swap3A_278] {strides = array<i32>} : memref<104x128xf32, #tpu.memory_space<vmem>>, vector<1x16xf32>,
      %swap3A_280 = vector.shape_cast %swap3A_279 : vector<1x16xf32> to vector<16xf32>
      %swap3A_281 = vector.shape_cast %broadcast_in_dim3A_276 : vector<16xf32> to vector<1x16xf32>
      tpu.vector_store %arg7[%swap3A_277, %swap3A_278], %swap3A_281 {strides = array<i32>} : memref<104x128xf32, #tpu.memory_space<vmem>>, vector<1x16xf32>,
      %broadcast_in_dim3A_282 = arith.constant 0.000000e+00 : f32
      %broadcast_in_dim3A_283 = vector.broadcast %broadcast_in_dim3A_282 : f32 to vector<16xf32>
      %swap3A_284 = arith.index_cast %scan3A_269 : i32 to index
      %swap3A_285 = arith.constant 32 : index
      %swap3A_286 = tpu.vector_load %arg7[%swap3A_284, %swap3A_285] {strides = array<i32>} : memref<104x128xf32, #tpu.memory_space<vmem>>, vector<1x16xf32>,
      %swap3A_287 = vector.shape_cast %swap3A_286 : vector<1x16xf32> to vector<16xf32>
      %swap3A_288 = vector.shape_cast %broadcast_in_dim3A_283 : vector<16xf32> to vector<1x16xf32>
      tpu.vector_store %arg7[%swap3A_284, %swap3A_285], %swap3A_288 {strides = array<i32>} : memref<104x128xf32, #tpu.memory_space<vmem>>, vector<1x16xf32>,
      %broadcast_in_dim3A_289 = arith.constant 0.000000e+00 : f32
      %broadcast_in_dim3A_290 = vector.broadcast %broadcast_in_dim3A_289 : f32 to vector<16xf32>
      %swap3A_291 = arith.index_cast %scan3A_269 : i32 to index
      %swap3A_292 = arith.constant 48 : index
      %swap3A_293 = tpu.vector_load %arg7[%swap3A_291, %swap3A_292] {strides = array<i32>} : memref<104x128xf32, #tpu.memory_space<vmem>>, vector<1x16xf32>,
      %swap3A_294 = vector.shape_cast %swap3A_293 : vector<1x16xf32> to vector<16xf32>
      %swap3A_295 = vector.shape_cast %broadcast_in_dim3A_290 : vector<16xf32> to vector<1x16xf32>
      tpu.vector_store %arg7[%swap3A_291, %swap3A_292], %swap3A_295 {strides = array<i32>} : memref<104x128xf32, #tpu.memory_space<vmem>>, vector<1x16xf32>,
      %broadcast_in_dim3A_296 = arith.constant 0.000000e+00 : f32
      %broadcast_in_dim3A_297 = vector.broadcast %broadcast_in_dim3A_296 : f32 to vector<16xf32>
      %swap3A_298 = arith.index_cast %scan3A_269 : i32 to index
      %swap3A_299 = arith.constant 64 : index
      %swap3A_300 = tpu.vector_load %arg7[%swap3A_298, %swap3A_299] {strides = array<i32>} : memref<104x128xf32, #tpu.memory_space<vmem>>, vector<1x16xf32>,
      %swap3A_301 = vector.shape_cast %swap3A_300 : vector<1x16xf32> to vector<16xf32>
      %swap3A_302 = vector.shape_cast %broadcast_in_dim3A_297 : vector<16xf32> to vector<1x16xf32>
      tpu.vector_store %arg7[%swap3A_298, %swap3A_299], %swap3A_302 {strides = array<i32>} : memref<104x128xf32, #tpu.memory_space<vmem>>, vector<1x16xf32>,
      %broadcast_in_dim3A_303 = arith.constant 0.000000e+00 : f32
      %broadcast_in_dim3A_304 = vector.broadcast %broadcast_in_dim3A_303 : f32 to vector<16xf32>
      %swap3A_305 = arith.index_cast %scan3A_269 : i32 to index
      %swap3A_306 = arith.constant 80 : index
      %swap3A_307 = tpu.vector_load %arg7[%swap3A_305, %swap3A_306] {strides = array<i32>} : memref<104x128xf32, #tpu.memory_space<vmem>>, vector<1x16xf32>,
      %swap3A_308 = vector.shape_cast %swap3A_307 : vector<1x16xf32> to vector<16xf32>
      %swap3A_309 = vector.shape_cast %broadcast_in_dim3A_304 : vector<16xf32> to vector<1x16xf32>
      tpu.vector_store %arg7[%swap3A_305, %swap3A_306], %swap3A_309 {strides = array<i32>} : memref<104x128xf32, #tpu.memory_space<vmem>>, vector<1x16xf32>,
      %broadcast_in_dim3A_310 = arith.constant 0.000000e+00 : f32
      %broadcast_in_dim3A_311 = vector.broadcast %broadcast_in_dim3A_310 : f32 to vector<16xf32>
      %swap3A_312 = arith.index_cast %scan3A_269 : i32 to index
      %swap3A_313 = arith.constant 96 : index
      %swap3A_314 = tpu.vector_load %arg7[%swap3A_312, %swap3A_313] {strides = array<i32>} : memref<104x128xf32, #tpu.memory_space<vmem>>, vector<1x16xf32>,
      %swap3A_315 = vector.shape_cast %swap3A_314 : vector<1x16xf32> to vector<16xf32>
      %swap3A_316 = vector.shape_cast %broadcast_in_dim3A_311 : vector<16xf32> to vector<1x16xf32>
      tpu.vector_store %arg7[%swap3A_312, %swap3A_313], %swap3A_316 {strides = array<i32>} : memref<104x128xf32, #tpu.memory_space<vmem>>, vector<1x16xf32>,
      %broadcast_in_dim3A_317 = arith.constant 0.000000e+00 : f32
      %broadcast_in_dim3A_318 = vector.broadcast %broadcast_in_dim3A_317 : f32 to vector<16xf32>
      %swap3A_319 = arith.index_cast %scan3A_269 : i32 to index
      %swap3A_320 = arith.constant 112 : index
      %swap3A_321 = tpu.vector_load %arg7[%swap3A_319, %swap3A_320] {strides = array<i32>} : memref<104x128xf32, #tpu.memory_space<vmem>>, vector<1x16xf32>,
      %swap3A_322 = vector.shape_cast %swap3A_321 : vector<1x16xf32> to vector<16xf32>
      %swap3A_323 = vector.shape_cast %broadcast_in_dim3A_318 : vector<16xf32> to vector<1x16xf32>
      tpu.vector_store %arg7[%swap3A_319, %swap3A_320], %swap3A_323 {strides = array<i32>} : memref<104x128xf32, #tpu.memory_space<vmem>>, vector<1x16xf32>,
    }
    %scan3A_71 = arith.constant 104 : i32
    %mul3A_72 = arith.constant 624 : i32
    %mul3A_73 = arith.muli %arg1, %mul3A_72 : i32
    %add3A_74 = arith.constant 0 : i32
    %add3A_75 = arith.addi %mul3A_73, %add3A_74 : i32
    "tpu.region"() ({
      %run_scoped3A = tpu.sem_alloc : memref<!tpu.dma_semaphore, #tpu.memory_space<semaphore_mem>>
      %dma_start3A_269 = arith.constant 0 : i32
      %dma_start3A_270 = tpu.memref_slice %arg8[%add3A_75, %dma_start3A_269] : memref<10000x128xf32, #tpu.memory_space<vmem_shared>> -> memref<104x128xf32, #tpu.memory_space<vmem_shared>>
      %dma_start3A_271 = arith.constant 0 : i32
      %dma_start3A_272 = tpu.memref_slice %arg8[%add3A_75, %dma_start3A_271] : memref<10000x128xf32, #tpu.memory_space<vmem_shared>> -> memref<104x128xf32, #tpu.memory_space<vmem_shared>>
      tpu.enqueue_dma source(%arg7 : memref<104x128xf32, #tpu.memory_space<vmem>>) target(%dma_start3A_272 : memref<104x128xf32, #tpu.memory_space<vmem_shared>>) target_semaphore(%run_scoped3A : memref<!tpu.dma_semaphore, #tpu.memory_space<semaphore_mem>>)
      %dma_wait3A_273 = arith.constant 0 : i32
      %dma_wait3A_274 = tpu.memref_slice %arg8[%add3A_75, %dma_wait3A_273] : memref<10000x128xf32, #tpu.memory_space<vmem_shared>> -> memref<104x128xf32, #tpu.memory_space<vmem_shared>>
      %dma_wait3A_275 = arith.constant 0 : i32
      %dma_wait3A_276 = tpu.memref_slice %arg8[%add3A_75, %dma_wait3A_275] : memref<10000x128xf32, #tpu.memory_space<vmem_shared>> -> memref<104x128xf32, #tpu.memory_space<vmem_shared>>
      tpu.wait_dma2 semaphore(%run_scoped3A : memref<!tpu.dma_semaphore, #tpu.memory_space<semaphore_mem>>) src(%arg7 : memref<104x128xf32, #tpu.memory_space<vmem>>) dst(%dma_wait3A_276 : memref<104x128xf32, #tpu.memory_space<vmem_shared>>)
      tpu.yield
    }) : () -> ()
    %mul3A_76 = arith.constant 624 : i32
    %mul3A_77 = arith.muli %arg1, %mul3A_76 : i32
    %add3A_78 = arith.constant 104 : i32
    %add3A_79 = arith.addi %mul3A_77, %add3A_78 : i32
    "tpu.region"() ({
      %run_scoped3A = tpu.sem_alloc : memref<!tpu.dma_semaphore, #tpu.memory_space<semaphore_mem>>
      %dma_start3A_269 = arith.constant 0 : i32
      %dma_start3A_270 = tpu.memref_slice %arg8[%add3A_79, %dma_start3A_269] : memref<10000x128xf32, #tpu.memory_space<vmem_shared>> -> memref<104x128xf32, #tpu.memory_space<vmem_shared>>
      %dma_start3A_271 = arith.constant 0 : i32
      %dma_start3A_272 = tpu.memref_slice %arg8[%add3A_79, %dma_start3A_271] : memref<10000x128xf32, #tpu.memory_space<vmem_shared>> -> memref<104x128xf32, #tpu.memory_space<vmem_shared>>
      tpu.enqueue_dma source(%arg7 : memref<104x128xf32, #tpu.memory_space<vmem>>) target(%dma_start3A_272 : memref<104x128xf32, #tpu.memory_space<vmem_shared>>) target_semaphore(%run_scoped3A : memref<!tpu.dma_semaphore, #tpu.memory_space<semaphore_mem>>)
      %dma_wait3A_273 = arith.constant 0 : i32
      %dma_wait3A_274 = tpu.memref_slice %arg8[%add3A_79, %dma_wait3A_273] : memref<10000x128xf32, #tpu.memory_space<vmem_shared>> -> memref<104x128xf32, #tpu.memory_space<vmem_shared>>
      %dma_wait3A_275 = arith.constant 0 : i32
      %dma_wait3A_276 = tpu.memref_slice %arg8[%add3A_79, %dma_wait3A_275] : memref<10000x128xf32, #tpu.memory_space<vmem_shared>> -> memref<104x128xf32, #tpu.memory_space<vmem_shared>>
      tpu.wait_dma2 semaphore(%run_scoped3A : memref<!tpu.dma_semaphore, #tpu.memory_space<semaphore_mem>>) src(%arg7 : memref<104x128xf32, #tpu.memory_space<vmem>>) dst(%dma_wait3A_276 : memref<104x128xf32, #tpu.memory_space<vmem_shared>>)
      tpu.yield
    }) : () -> ()
    %mul3A_80 = arith.constant 624 : i32
    %mul3A_81 = arith.muli %arg1, %mul3A_80 : i32
    %add3A_82 = arith.constant 208 : i32
    %add3A_83 = arith.addi %mul3A_81, %add3A_82 : i32
    "tpu.region"() ({
      %run_scoped3A = tpu.sem_alloc : memref<!tpu.dma_semaphore, #tpu.memory_space<semaphore_mem>>
      %dma_start3A_269 = arith.constant 0 : i32
      %dma_start3A_270 = tpu.memref_slice %arg8[%add3A_83, %dma_start3A_269] : memref<10000x128xf32, #tpu.memory_space<vmem_shared>> -> memref<104x128xf32, #tpu.memory_space<vmem_shared>>
      %dma_start3A_271 = arith.constant 0 : i32
      %dma_start3A_272 = tpu.memref_slice %arg8[%add3A_83, %dma_start3A_271] : memref<10000x128xf32, #tpu.memory_space<vmem_shared>> -> memref<104x128xf32, #tpu.memory_space<vmem_shared>>
      tpu.enqueue_dma source(%arg7 : memref<104x128xf32, #tpu.memory_space<vmem>>) target(%dma_start3A_272 : memref<104x128xf32, #tpu.memory_space<vmem_shared>>) target_semaphore(%run_scoped3A : memref<!tpu.dma_semaphore, #tpu.memory_space<semaphore_mem>>)
      %dma_wait3A_273 = arith.constant 0 : i32
      %dma_wait3A_274 = tpu.memref_slice %arg8[%add3A_83, %dma_wait3A_273] : memref<10000x128xf32, #tpu.memory_space<vmem_shared>> -> memref<104x128xf32, #tpu.memory_space<vmem_shared>>
      %dma_wait3A_275 = arith.constant 0 : i32
      %dma_wait3A_276 = tpu.memref_slice %arg8[%add3A_83, %dma_wait3A_275] : memref<10000x128xf32, #tpu.memory_space<vmem_shared>> -> memref<104x128xf32, #tpu.memory_space<vmem_shared>>
      tpu.wait_dma2 semaphore(%run_scoped3A : memref<!tpu.dma_semaphore, #tpu.memory_space<semaphore_mem>>) src(%arg7 : memref<104x128xf32, #tpu.memory_space<vmem>>) dst(%dma_wait3A_276 : memref<104x128xf32, #tpu.memory_space<vmem_shared>>)
      tpu.yield
    }) : () -> ()
    %mul3A_84 = arith.constant 624 : i32
    %mul3A_85 = arith.muli %arg1, %mul3A_84 : i32
    %add3A_86 = arith.constant 312 : i32
    %add3A_87 = arith.addi %mul3A_85, %add3A_86 : i32
    "tpu.region"() ({
      %run_scoped3A = tpu.sem_alloc : memref<!tpu.dma_semaphore, #tpu.memory_space<semaphore_mem>>
      %dma_start3A_269 = arith.constant 0 : i32
      %dma_start3A_270 = tpu.memref_slice %arg8[%add3A_87, %dma_start3A_269] : memref<10000x128xf32, #tpu.memory_space<vmem_shared>> -> memref<104x128xf32, #tpu.memory_space<vmem_shared>>
      %dma_start3A_271 = arith.constant 0 : i32
      %dma_start3A_272 = tpu.memref_slice %arg8[%add3A_87, %dma_start3A_271] : memref<10000x128xf32, #tpu.memory_space<vmem_shared>> -> memref<104x128xf32, #tpu.memory_space<vmem_shared>>
      tpu.enqueue_dma source(%arg7 : memref<104x128xf32, #tpu.memory_space<vmem>>) target(%dma_start3A_272 : memref<104x128xf32, #tpu.memory_space<vmem_shared>>) target_semaphore(%run_scoped3A : memref<!tpu.dma_semaphore, #tpu.memory_space<semaphore_mem>>)
      %dma_wait3A_273 = arith.constant 0 : i32
      %dma_wait3A_274 = tpu.memref_slice %arg8[%add3A_87, %dma_wait3A_273] : memref<10000x128xf32, #tpu.memory_space<vmem_shared>> -> memref<104x128xf32, #tpu.memory_space<vmem_shared>>
      %dma_wait3A_275 = arith.constant 0 : i32
      %dma_wait3A_276 = tpu.memref_slice %arg8[%add3A_87, %dma_wait3A_275] : memref<10000x128xf32, #tpu.memory_space<vmem_shared>> -> memref<104x128xf32, #tpu.memory_space<vmem_shared>>
      tpu.wait_dma2 semaphore(%run_scoped3A : memref<!tpu.dma_semaphore, #tpu.memory_space<semaphore_mem>>) src(%arg7 : memref<104x128xf32, #tpu.memory_space<vmem>>) dst(%dma_wait3A_276 : memref<104x128xf32, #tpu.memory_space<vmem_shared>>)
      tpu.yield
    }) : () -> ()
    %mul3A_88 = arith.constant 624 : i32
    %mul3A_89 = arith.muli %arg1, %mul3A_88 : i32
    %add3A_90 = arith.constant 416 : i32
    %add3A_91 = arith.addi %mul3A_89, %add3A_90 : i32
    "tpu.region"() ({
      %run_scoped3A = tpu.sem_alloc : memref<!tpu.dma_semaphore, #tpu.memory_space<semaphore_mem>>
      %dma_start3A_269 = arith.constant 0 : i32
      %dma_start3A_270 = tpu.memref_slice %arg8[%add3A_91, %dma_start3A_269] : memref<10000x128xf32, #tpu.memory_space<vmem_shared>> -> memref<104x128xf32, #tpu.memory_space<vmem_shared>>
      %dma_start3A_271 = arith.constant 0 : i32
      %dma_start3A_272 = tpu.memref_slice %arg8[%add3A_91, %dma_start3A_271] : memref<10000x128xf32, #tpu.memory_space<vmem_shared>> -> memref<104x128xf32, #tpu.memory_space<vmem_shared>>
      tpu.enqueue_dma source(%arg7 : memref<104x128xf32, #tpu.memory_space<vmem>>) target(%dma_start3A_272 : memref<104x128xf32, #tpu.memory_space<vmem_shared>>) target_semaphore(%run_scoped3A : memref<!tpu.dma_semaphore, #tpu.memory_space<semaphore_mem>>)
      %dma_wait3A_273 = arith.constant 0 : i32
      %dma_wait3A_274 = tpu.memref_slice %arg8[%add3A_91, %dma_wait3A_273] : memref<10000x128xf32, #tpu.memory_space<vmem_shared>> -> memref<104x128xf32, #tpu.memory_space<vmem_shared>>
      %dma_wait3A_275 = arith.constant 0 : i32
      %dma_wait3A_276 = tpu.memref_slice %arg8[%add3A_91, %dma_wait3A_275] : memref<10000x128xf32, #tpu.memory_space<vmem_shared>> -> memref<104x128xf32, #tpu.memory_space<vmem_shared>>
      tpu.wait_dma2 semaphore(%run_scoped3A : memref<!tpu.dma_semaphore, #tpu.memory_space<semaphore_mem>>) src(%arg7 : memref<104x128xf32, #tpu.memory_space<vmem>>) dst(%dma_wait3A_276 : memref<104x128xf32, #tpu.memory_space<vmem_shared>>)
      tpu.yield
    }) : () -> ()
    %mul3A_92 = arith.constant 624 : i32
    %mul3A_93 = arith.muli %arg1, %mul3A_92 : i32
    %add3A_94 = arith.constant 520 : i32
    %add3A_95 = arith.addi %mul3A_93, %add3A_94 : i32
    "tpu.region"() ({
      %run_scoped3A = tpu.sem_alloc : memref<!tpu.dma_semaphore, #tpu.memory_space<semaphore_mem>>
      %dma_start3A_269 = arith.constant 0 : i32
      %dma_start3A_270 = tpu.memref_slice %arg8[%add3A_95, %dma_start3A_269] : memref<10000x128xf32, #tpu.memory_space<vmem_shared>> -> memref<104x128xf32, #tpu.memory_space<vmem_shared>>
      %dma_start3A_271 = arith.constant 0 : i32
      %dma_start3A_272 = tpu.memref_slice %arg8[%add3A_95, %dma_start3A_271] : memref<10000x128xf32, #tpu.memory_space<vmem_shared>> -> memref<104x128xf32, #tpu.memory_space<vmem_shared>>
      tpu.enqueue_dma source(%arg7 : memref<104x128xf32, #tpu.memory_space<vmem>>) target(%dma_start3A_272 : memref<104x128xf32, #tpu.memory_space<vmem_shared>>) target_semaphore(%run_scoped3A : memref<!tpu.dma_semaphore, #tpu.memory_space<semaphore_mem>>)
      %dma_wait3A_273 = arith.constant 0 : i32
      %dma_wait3A_274 = tpu.memref_slice %arg8[%add3A_95, %dma_wait3A_273] : memref<10000x128xf32, #tpu.memory_space<vmem_shared>> -> memref<104x128xf32, #tpu.memory_space<vmem_shared>>
      %dma_wait3A_275 = arith.constant 0 : i32
      %dma_wait3A_276 = tpu.memref_slice %arg8[%add3A_95, %dma_wait3A_275] : memref<10000x128xf32, #tpu.memory_space<vmem_shared>> -> memref<104x128xf32, #tpu.memory_space<vmem_shared>>
      tpu.wait_dma2 semaphore(%run_scoped3A : memref<!tpu.dma_semaphore, #tpu.memory_space<semaphore_mem>>) src(%arg7 : memref<104x128xf32, #tpu.memory_space<vmem>>) dst(%dma_wait3A_276 : memref<104x128xf32, #tpu.memory_space<vmem_shared>>)
      tpu.yield
    }) : () -> ()
    %eq3A = arith.constant 15 : i32
    %eq3A_96 = arith.cmpi eq, %arg1, %eq3A : i32
    %convert_element_type3A = arith.extui %eq3A_96 : i1 to i32
    %cond3A = arith.constant 0 : i32
    %cond3A_97 = arith.cmpi ne, %convert_element_type3A, %cond3A : i32
    scf.if %cond3A_97 {
      "tpu.region"() ({
        %run_scoped3A = tpu.sem_alloc : memref<!tpu.dma_semaphore, #tpu.memory_space<semaphore_mem>>
        %dma_start3A_269 = arith.constant 0 : i32
        %dma_start3A_270 = arith.constant 0 : i32
        %dma_start3A_271 = tpu.memref_slice %arg7[%dma_start3A_269, %dma_start3A_270] : memref<104x128xf32, #tpu.memory_space<vmem>> -> memref<16x128xf32, #tpu.memory_space<vmem>>
        %dma_start3A_272 = arith.constant 9984 : i32
        %dma_start3A_273 = arith.constant 0 : i32
        %dma_start3A_274 = tpu.memref_slice %arg8[%dma_start3A_272, %dma_start3A_273] : memref<10000x128xf32, #tpu.memory_space<vmem_shared>> -> memref<16x128xf32, #tpu.memory_space<vmem_shared>>
        %dma_start3A_275 = arith.constant 9984 : i32
        %dma_start3A_276 = arith.constant 0 : i32
        %dma_start3A_277 = tpu.memref_slice %arg8[%dma_start3A_275, %dma_start3A_276] : memref<10000x128xf32, #tpu.memory_space<vmem_shared>> -> memref<16x128xf32, #tpu.memory_space<vmem_shared>>
        %dma_start3A_278 = arith.constant 0 : i32
        %dma_start3A_279 = arith.constant 0 : i32
        %dma_start3A_280 = tpu.memref_slice %arg7[%dma_start3A_278, %dma_start3A_279] : memref<104x128xf32, #tpu.memory_space<vmem>> -> memref<16x128xf32, #tpu.memory_space<vmem>>
        tpu.enqueue_dma source(%dma_start3A_280 : memref<16x128xf32, #tpu.memory_space<vmem>>) target(%dma_start3A_277 : memref<16x128xf32, #tpu.memory_space<vmem_shared>>) target_semaphore(%run_scoped3A : memref<!tpu.dma_semaphore, #tpu.memory_space<semaphore_mem>>)
        %dma_wait3A_281 = arith.constant 0 : i32
        %dma_wait3A_282 = arith.constant 0 : i32
        %dma_wait3A_283 = tpu.memref_slice %arg7[%dma_wait3A_281, %dma_wait3A_282] : memref<104x128xf32, #tpu.memory_space<vmem>> -> memref<16x128xf32, #tpu.memory_space<vmem>>
        %dma_wait3A_284 = arith.constant 9984 : i32
        %dma_wait3A_285 = arith.constant 0 : i32
        %dma_wait3A_286 = tpu.memref_slice %arg8[%dma_wait3A_284, %dma_wait3A_285] : memref<10000x128xf32, #tpu.memory_space<vmem_shared>> -> memref<16x128xf32, #tpu.memory_space<vmem_shared>>
        %dma_wait3A_287 = arith.constant 9984 : i32
        %dma_wait3A_288 = arith.constant 0 : i32
        %dma_wait3A_289 = tpu.memref_slice %arg8[%dma_wait3A_287, %dma_wait3A_288] : memref<10000x128xf32, #tpu.memory_space<vmem_shared>> -> memref<16x128xf32, #tpu.memory_space<vmem_shared>>
        %dma_wait3A_290 = arith.constant 0 : i32
        %dma_wait3A_291 = arith.constant 0 : i32
        %dma_wait3A_292 = tpu.memref_slice %arg7[%dma_wait3A_290, %dma_wait3A_291] : memref<104x128xf32, #tpu.memory_space<vmem>> -> memref<16x128xf32, #tpu.memory_space<vmem>>
        tpu.wait_dma2 semaphore(%run_scoped3A : memref<!tpu.dma_semaphore, #tpu.memory_space<semaphore_mem>>) src(%dma_wait3A_292 : memref<16x128xf32, #tpu.memory_space<vmem>>) dst(%dma_wait3A_289 : memref<16x128xf32, #tpu.memory_space<vmem_shared>>)
        tpu.yield
      }) : () -> ()
    } else {
    }
    %barrier3A = arith.constant 0 : index
    tpu.barrier barrier_id(%barrier3A)
    %dma_wait3A = arith.constant 0 : i32
    %dma_wait3A_98 = arith.constant 0 : i32
    %dma_wait3A_99 = arith.constant 0 : i32
    %dma_wait3A_100 = tpu.memref_slice %arg5[%dma_wait3A, %dma_wait3A_99] : memref<3x80xi32, #tpu.memory_space<vmem>> -> memref<1x80xi32, #tpu.memory_space<vmem>>
    %dma_wait3A_101 = tpu.memref_squeeze %dma_wait3A_100 : memref<1x80xi32, #tpu.memory_space<vmem>> -> memref<80xi32, #tpu.memory_space<vmem>>
    %dma_wait3A_102 = arith.constant 0 : i32
    %dma_wait3A_103 = tpu.memref_slice %arg2[%dma_wait3A_102] : memref<640000xi32, #tpu.memory_space<hbm>> -> memref<80xi32, #tpu.memory_space<hbm>>
    %dma_wait3A_104 = tpu.memref_slice %arg9[%dma_wait3A_98] : memref<3x!tpu.dma_semaphore, #tpu.memory_space<semaphore_mem>> -> memref<1x!tpu.dma_semaphore, #tpu.memory_space<semaphore_mem>>
    %dma_wait3A_105 = tpu.memref_squeeze %dma_wait3A_104 : memref<1x!tpu.dma_semaphore, #tpu.memory_space<semaphore_mem>> -> memref<!tpu.dma_semaphore, #tpu.memory_space<semaphore_mem>>
    %dma_wait3A_106 = arith.constant 0 : i32
    %dma_wait3A_107 = tpu.memref_slice %arg5[%dma_wait3A, %dma_wait3A_106] : memref<3x80xi32, #tpu.memory_space<vmem>> -> memref<1x80xi32, #tpu.memory_space<vmem>>
    %dma_wait3A_108 = tpu.memref_squeeze %dma_wait3A_107 : memref<1x80xi32, #tpu.memory_space<vmem>> -> memref<80xi32, #tpu.memory_space<vmem>>
    %dma_wait3A_109 = arith.constant 0 : i32
    %dma_wait3A_110 = tpu.memref_slice %arg2[%dma_wait3A_109] : memref<640000xi32, #tpu.memory_space<hbm>> -> memref<80xi32, #tpu.memory_space<hbm>>
    tpu.wait_dma2 semaphore(%dma_wait3A_105 : memref<!tpu.dma_semaphore, #tpu.memory_space<semaphore_mem>>) src(%dma_wait3A_110 : memref<80xi32, #tpu.memory_space<hbm>>) dst(%dma_wait3A_108 : memref<80xi32, #tpu.memory_space<vmem>>)
    %dma_wait3A_111 = arith.constant 0 : i32
    %dma_wait3A_112 = arith.constant 0 : i32
    %dma_wait3A_113 = arith.constant 0 : i32
    %dma_wait3A_114 = arith.constant 0 : i32
    %dma_wait3A_115 = tpu.memref_slice %arg6[%dma_wait3A_111, %dma_wait3A_113, %dma_wait3A_114] : memref<3x80x128xf32, #tpu.memory_space<vmem>> -> memref<1x80x128xf32, #tpu.memory_space<vmem>>
    %dma_wait3A_116 = tpu.memref_squeeze %dma_wait3A_115 : memref<1x80x128xf32, #tpu.memory_space<vmem>> -> memref<80x128xf32, #tpu.memory_space<vmem>>
    %dma_wait3A_117 = arith.constant 0 : i32
    %dma_wait3A_118 = arith.constant 0 : i32
    %dma_wait3A_119 = tpu.memref_slice %arg3[%dma_wait3A_117, %dma_wait3A_118] : memref<320000x128xf32, #tpu.memory_space<hbm>> -> memref<80x128xf32, #tpu.memory_space<hbm>>
    %dma_wait3A_120 = tpu.memref_slice %arg10[%dma_wait3A_112] : memref<3x!tpu.dma_semaphore, #tpu.memory_space<semaphore_mem>> -> memref<1x!tpu.dma_semaphore, #tpu.memory_space<semaphore_mem>>
    %dma_wait3A_121 = tpu.memref_squeeze %dma_wait3A_120 : memref<1x!tpu.dma_semaphore, #tpu.memory_space<semaphore_mem>> -> memref<!tpu.dma_semaphore, #tpu.memory_space<semaphore_mem>>
    %dma_wait3A_122 = arith.constant 0 : i32
    %dma_wait3A_123 = arith.constant 0 : i32
    %dma_wait3A_124 = tpu.memref_slice %arg6[%dma_wait3A_111, %dma_wait3A_122, %dma_wait3A_123] : memref<3x80x128xf32, #tpu.memory_space<vmem>> -> memref<1x80x128xf32, #tpu.memory_space<vmem>>
    %dma_wait3A_125 = tpu.memref_squeeze %dma_wait3A_124 : memref<1x80x128xf32, #tpu.memory_space<vmem>> -> memref<80x128xf32, #tpu.memory_space<vmem>>
    %dma_wait3A_126 = arith.constant 0 : i32
    %dma_wait3A_127 = arith.constant 0 : i32
    %dma_wait3A_128 = tpu.memref_slice %arg3[%dma_wait3A_126, %dma_wait3A_127] : memref<320000x128xf32, #tpu.memory_space<hbm>> -> memref<80x128xf32, #tpu.memory_space<hbm>>
    tpu.wait_dma2 semaphore(%dma_wait3A_121 : memref<!tpu.dma_semaphore, #tpu.memory_space<semaphore_mem>>) src(%dma_wait3A_128 : memref<80x128xf32, #tpu.memory_space<hbm>>) dst(%dma_wait3A_125 : memref<80x128xf32, #tpu.memory_space<vmem>>)
    %dma_start3A_129 = arith.constant 0 : i32
    %dma_start3A_130 = arith.constant 0 : i32
    %dma_start3A_131 = arith.constant 0 : i32
    %dma_start3A_132 = arith.constant 0 : i32
    %dma_start3A_133 = arith.constant 0 : i32
    %dma_start3A_134 = tpu.memref_slice %arg6[%dma_start3A_129, %dma_start3A_132, %dma_start3A_133] : memref<3x80x128xf32, #tpu.memory_space<vmem>> -> memref<1x80x128xf32, #tpu.memory_space<vmem>>
    %dma_start3A_135 = tpu.memref_squeeze %dma_start3A_134 : memref<1x80x128xf32, #tpu.memory_space<vmem>> -> memref<80x128xf32, #tpu.memory_space<vmem>>
    %dma_start3A_136 = arith.constant 0 : i32
    %dma_start3A_137 = tpu.memref_slice %arg5[%dma_start3A_130, %dma_start3A_136] : memref<3x80xi32, #tpu.memory_space<vmem>> -> memref<1x80xi32, #tpu.memory_space<vmem>>
    %dma_start3A_138 = tpu.memref_squeeze %dma_start3A_137 : memref<1x80xi32, #tpu.memory_space<vmem>> -> memref<80xi32, #tpu.memory_space<vmem>>
    %dma_start3A_139 = arith.constant 0 : i32
    %dma_start3A_140 = arith.constant 0 : i32
    %dma_start3A_141 = tpu.memref_slice %arg8[%dma_start3A_139, %dma_start3A_140] : memref<10000x128xf32, #tpu.memory_space<vmem_shared>> -> memref<10000x128xf32, #tpu.memory_space<vmem_shared>>
    %dma_start3A_142 = tpu.memref_slice %arg11[%dma_start3A_131] : memref<3x!tpu.dma_semaphore, #tpu.memory_space<semaphore_mem>> -> memref<1x!tpu.dma_semaphore, #tpu.memory_space<semaphore_mem>>
    %dma_start3A_143 = tpu.memref_squeeze %dma_start3A_142 : memref<1x!tpu.dma_semaphore, #tpu.memory_space<semaphore_mem>> -> memref<!tpu.dma_semaphore, #tpu.memory_space<semaphore_mem>>
    tpu.enqueue_indirect_dma source(%dma_start3A_135 : memref<80x128xf32, #tpu.memory_space<vmem>>) target(%dma_start3A_141 : memref<10000x128xf32, #tpu.memory_space<vmem_shared>>) offsets(%dma_start3A_138 : memref<80xi32, #tpu.memory_space<vmem>>) semaphore(%dma_start3A_143 : memref<!tpu.dma_semaphore, #tpu.memory_space<semaphore_mem>>) {add = true}
    %add3A_144 = arith.constant 160 : i32
    %add3A_145 = arith.addi %add3A_4, %add3A_144 : i32
    %dma_start3A_146 = arith.constant 2 : i32
    %dma_start3A_147 = arith.constant 2 : i32
    %dma_start3A_148 = arith.constant 0 : i32
    %dma_start3A_149 = tpu.memref_slice %arg5[%dma_start3A_146, %dma_start3A_148] : memref<3x80xi32, #tpu.memory_space<vmem>> -> memref<1x80xi32, #tpu.memory_space<vmem>>
    %dma_start3A_150 = tpu.memref_squeeze %dma_start3A_149 : memref<1x80xi32, #tpu.memory_space<vmem>> -> memref<80xi32, #tpu.memory_space<vmem>>
    %dma_start3A_151 = tpu.memref_slice %arg2[%add3A_145] : memref<640000xi32, #tpu.memory_space<hbm>> -> memref<80xi32, #tpu.memory_space<hbm>>
    %dma_start3A_152 = tpu.memref_slice %arg9[%dma_start3A_147] : memref<3x!tpu.dma_semaphore, #tpu.memory_space<semaphore_mem>> -> memref<1x!tpu.dma_semaphore, #tpu.memory_space<semaphore_mem>>
    %dma_start3A_153 = tpu.memref_squeeze %dma_start3A_152 : memref<1x!tpu.dma_semaphore, #tpu.memory_space<semaphore_mem>> -> memref<!tpu.dma_semaphore, #tpu.memory_space<semaphore_mem>>
    %dma_start3A_154 = arith.constant 0 : i32
    %dma_start3A_155 = tpu.memref_slice %arg5[%dma_start3A_146, %dma_start3A_154] : memref<3x80xi32, #tpu.memory_space<vmem>> -> memref<1x80xi32, #tpu.memory_space<vmem>>
    %dma_start3A_156 = tpu.memref_squeeze %dma_start3A_155 : memref<1x80xi32, #tpu.memory_space<vmem>> -> memref<80xi32, #tpu.memory_space<vmem>>
    %dma_start3A_157 = tpu.memref_slice %arg2[%add3A_145] : memref<640000xi32, #tpu.memory_space<hbm>> -> memref<80xi32, #tpu.memory_space<hbm>>
    tpu.enqueue_dma source(%dma_start3A_157 : memref<80xi32, #tpu.memory_space<hbm>>) target(%dma_start3A_156 : memref<80xi32, #tpu.memory_space<vmem>>) target_semaphore(%dma_start3A_153 : memref<!tpu.dma_semaphore, #tpu.memory_space<semaphore_mem>>)
    %sub3A_158 = arith.constant 320000 : i32
    %sub3A_159 = arith.subi %add3A_145, %sub3A_158 : i32
    %dma_start3A_160 = arith.constant 2 : i32
    %dma_start3A_161 = arith.constant 2 : i32
    %dma_start3A_162 = arith.constant 0 : i32
    %dma_start3A_163 = arith.constant 0 : i32
    %dma_start3A_164 = tpu.memref_slice %arg6[%dma_start3A_160, %dma_start3A_162, %dma_start3A_163] : memref<3x80x128xf32, #tpu.memory_space<vmem>> -> memref<1x80x128xf32, #tpu.memory_space<vmem>>
    %dma_start3A_165 = tpu.memref_squeeze %dma_start3A_164 : memref<1x80x128xf32, #tpu.memory_space<vmem>> -> memref<80x128xf32, #tpu.memory_space<vmem>>
    %dma_start3A_166 = arith.constant 0 : i32
    %dma_start3A_167 = tpu.memref_slice %arg3[%sub3A_159, %dma_start3A_166] : memref<320000x128xf32, #tpu.memory_space<hbm>> -> memref<80x128xf32, #tpu.memory_space<hbm>>
    %dma_start3A_168 = tpu.memref_slice %arg10[%dma_start3A_161] : memref<3x!tpu.dma_semaphore, #tpu.memory_space<semaphore_mem>> -> memref<1x!tpu.dma_semaphore, #tpu.memory_space<semaphore_mem>>
    %dma_start3A_169 = tpu.memref_squeeze %dma_start3A_168 : memref<1x!tpu.dma_semaphore, #tpu.memory_space<semaphore_mem>> -> memref<!tpu.dma_semaphore, #tpu.memory_space<semaphore_mem>>
    %dma_start3A_170 = arith.constant 0 : i32
    %dma_start3A_171 = arith.constant 0 : i32
    %dma_start3A_172 = tpu.memref_slice %arg6[%dma_start3A_160, %dma_start3A_170, %dma_start3A_171] : memref<3x80x128xf32, #tpu.memory_space<vmem>> -> memref<1x80x128xf32, #tpu.memory_space<vmem>>
    %dma_start3A_173 = tpu.memref_squeeze %dma_start3A_172 : memref<1x80x128xf32, #tpu.memory_space<vmem>> -> memref<80x128xf32, #tpu.memory_space<vmem>>
    %dma_start3A_174 = arith.constant 0 : i32
    %dma_start3A_175 = tpu.memref_slice %arg3[%sub3A_159, %dma_start3A_174] : memref<320000x128xf32, #tpu.memory_space<hbm>> -> memref<80x128xf32, #tpu.memory_space<hbm>>
    tpu.enqueue_dma source(%dma_start3A_175 : memref<80x128xf32, #tpu.memory_space<hbm>>) target(%dma_start3A_173 : memref<80x128xf32, #tpu.memory_space<vmem>>) target_semaphore(%dma_start3A_169 : memref<!tpu.dma_semaphore, #tpu.memory_space<semaphore_mem>>)
    %scan3A_176 = arith.constant 0 : i32
    %scan3A_177 = arith.constant 0 : i32
    %scan3A_178 = arith.constant 41 : i32
    %scan3A_179 = arith.addi %scan3A_177, %scan3A_178 : i32
    %scan3A_180 = arith.constant 1 : i32
    scf.for %scan3A_269 = %scan3A_177 to %scan3A_179 step %scan3A_180  : i32 {
      %mul3A_270 = arith.constant 3 : i32
      %mul3A_271 = arith.muli %mul3A_270, %scan3A_269 : i32
      %add3A_272 = arith.constant 1 : i32
      %add3A_273 = arith.addi %mul3A_271, %add3A_272 : i32
      %add3A_274 = arith.constant 0 : i32
      %add3A_275 = arith.addi %add3A_273, %add3A_274 : i32
      %dma_wait3A_276 = arith.constant 1 : i32
      %dma_wait3A_277 = arith.constant 1 : i32
      %dma_wait3A_278 = arith.constant 0 : i32
      %dma_wait3A_279 = tpu.memref_slice %arg5[%dma_wait3A_276, %dma_wait3A_278] : memref<3x80xi32, #tpu.memory_space<vmem>> -> memref<1x80xi32, #tpu.memory_space<vmem>>
      %dma_wait3A_280 = tpu.memref_squeeze %dma_wait3A_279 : memref<1x80xi32, #tpu.memory_space<vmem>> -> memref<80xi32, #tpu.memory_space<vmem>>
      %dma_wait3A_281 = arith.constant 0 : i32
      %dma_wait3A_282 = tpu.memref_slice %arg2[%dma_wait3A_281] : memref<640000xi32, #tpu.memory_space<hbm>> -> memref<80xi32, #tpu.memory_space<hbm>>
      %dma_wait3A_283 = tpu.memref_slice %arg9[%dma_wait3A_277] : memref<3x!tpu.dma_semaphore, #tpu.memory_space<semaphore_mem>> -> memref<1x!tpu.dma_semaphore, #tpu.memory_space<semaphore_mem>>
      %dma_wait3A_284 = tpu.memref_squeeze %dma_wait3A_283 : memref<1x!tpu.dma_semaphore, #tpu.memory_space<semaphore_mem>> -> memref<!tpu.dma_semaphore, #tpu.memory_space<semaphore_mem>>
      %dma_wait3A_285 = arith.constant 0 : i32
      %dma_wait3A_286 = tpu.memref_slice %arg5[%dma_wait3A_276, %dma_wait3A_285] : memref<3x80xi32, #tpu.memory_space<vmem>> -> memref<1x80xi32, #tpu.memory_space<vmem>>
      %dma_wait3A_287 = tpu.memref_squeeze %dma_wait3A_286 : memref<1x80xi32, #tpu.memory_space<vmem>> -> memref<80xi32, #tpu.memory_space<vmem>>
      %dma_wait3A_288 = arith.constant 0 : i32
      %dma_wait3A_289 = tpu.memref_slice %arg2[%dma_wait3A_288] : memref<640000xi32, #tpu.memory_space<hbm>> -> memref<80xi32, #tpu.memory_space<hbm>>
      tpu.wait_dma2 semaphore(%dma_wait3A_284 : memref<!tpu.dma_semaphore, #tpu.memory_space<semaphore_mem>>) src(%dma_wait3A_289 : memref<80xi32, #tpu.memory_space<hbm>>) dst(%dma_wait3A_287 : memref<80xi32, #tpu.memory_space<vmem>>)
      %dma_wait3A_290 = arith.constant 1 : i32
      %dma_wait3A_291 = arith.constant 1 : i32
      %dma_wait3A_292 = arith.constant 0 : i32
      %dma_wait3A_293 = arith.constant 0 : i32
      %dma_wait3A_294 = tpu.memref_slice %arg6[%dma_wait3A_290, %dma_wait3A_292, %dma_wait3A_293] : memref<3x80x128xf32, #tpu.memory_space<vmem>> -> memref<1x80x128xf32, #tpu.memory_space<vmem>>
      %dma_wait3A_295 = tpu.memref_squeeze %dma_wait3A_294 : memref<1x80x128xf32, #tpu.memory_space<vmem>> -> memref<80x128xf32, #tpu.memory_space<vmem>>
      %dma_wait3A_296 = arith.constant 0 : i32
      %dma_wait3A_297 = arith.constant 0 : i32
      %dma_wait3A_298 = tpu.memref_slice %arg3[%dma_wait3A_296, %dma_wait3A_297] : memref<320000x128xf32, #tpu.memory_space<hbm>> -> memref<80x128xf32, #tpu.memory_space<hbm>>
      %dma_wait3A_299 = tpu.memref_slice %arg10[%dma_wait3A_291] : memref<3x!tpu.dma_semaphore, #tpu.memory_space<semaphore_mem>> -> memref<1x!tpu.dma_semaphore, #tpu.memory_space<semaphore_mem>>
      %dma_wait3A_300 = tpu.memref_squeeze %dma_wait3A_299 : memref<1x!tpu.dma_semaphore, #tpu.memory_space<semaphore_mem>> -> memref<!tpu.dma_semaphore, #tpu.memory_space<semaphore_mem>>
      %dma_wait3A_301 = arith.constant 0 : i32
      %dma_wait3A_302 = arith.constant 0 : i32
      %dma_wait3A_303 = tpu.memref_slice %arg6[%dma_wait3A_290, %dma_wait3A_301, %dma_wait3A_302] : memref<3x80x128xf32, #tpu.memory_space<vmem>> -> memref<1x80x128xf32, #tpu.memory_space<vmem>>
      %dma_wait3A_304 = tpu.memref_squeeze %dma_wait3A_303 : memref<1x80x128xf32, #tpu.memory_space<vmem>> -> memref<80x128xf32, #tpu.memory_space<vmem>>
      %dma_wait3A_305 = arith.constant 0 : i32
      %dma_wait3A_306 = arith.constant 0 : i32
      %dma_wait3A_307 = tpu.memref_slice %arg3[%dma_wait3A_305, %dma_wait3A_306] : memref<320000x128xf32, #tpu.memory_space<hbm>> -> memref<80x128xf32, #tpu.memory_space<hbm>>
      tpu.wait_dma2 semaphore(%dma_wait3A_300 : memref<!tpu.dma_semaphore, #tpu.memory_space<semaphore_mem>>) src(%dma_wait3A_307 : memref<80x128xf32, #tpu.memory_space<hbm>>) dst(%dma_wait3A_304 : memref<80x128xf32, #tpu.memory_space<vmem>>)
      %dma_start3A_308 = arith.constant 1 : i32
      %dma_start3A_309 = arith.constant 1 : i32
      %dma_start3A_310 = arith.constant 1 : i32
      %dma_start3A_311 = arith.constant 0 : i32
      %dma_start3A_312 = arith.constant 0 : i32
      %dma_start3A_313 = tpu.memref_slice %arg6[%dma_start3A_308, %dma_start3A_311, %dma_start3A_312] : memref<3x80x128xf32, #tpu.memory_space<vmem>> -> memref<1x80x128xf32, #tpu.memory_space<vmem>>
      %dma_start3A_314 = tpu.memref_squeeze %dma_start3A_313 : memref<1x80x128xf32, #tpu.memory_space<vmem>> -> memref<80x128xf32, #tpu.memory_space<vmem>>
      %dma_start3A_315 = arith.constant 0 : i32
      %dma_start3A_316 = tpu.memref_slice %arg5[%dma_start3A_309, %dma_start3A_315] : memref<3x80xi32, #tpu.memory_space<vmem>> -> memref<1x80xi32, #tpu.memory_space<vmem>>
      %dma_start3A_317 = tpu.memref_squeeze %dma_start3A_316 : memref<1x80xi32, #tpu.memory_space<vmem>> -> memref<80xi32, #tpu.memory_space<vmem>>
      %dma_start3A_318 = arith.constant 0 : i32
      %dma_start3A_319 = arith.constant 0 : i32
      %dma_start3A_320 = tpu.memref_slice %arg8[%dma_start3A_318, %dma_start3A_319] : memref<10000x128xf32, #tpu.memory_space<vmem_shared>> -> memref<10000x128xf32, #tpu.memory_space<vmem_shared>>
      %dma_start3A_321 = tpu.memref_slice %arg11[%dma_start3A_310] : memref<3x!tpu.dma_semaphore, #tpu.memory_space<semaphore_mem>> -> memref<1x!tpu.dma_semaphore, #tpu.memory_space<semaphore_mem>>
      %dma_start3A_322 = tpu.memref_squeeze %dma_start3A_321 : memref<1x!tpu.dma_semaphore, #tpu.memory_space<semaphore_mem>> -> memref<!tpu.dma_semaphore, #tpu.memory_space<semaphore_mem>>
      tpu.enqueue_indirect_dma source(%dma_start3A_314 : memref<80x128xf32, #tpu.memory_space<vmem>>) target(%dma_start3A_320 : memref<10000x128xf32, #tpu.memory_space<vmem_shared>>) offsets(%dma_start3A_317 : memref<80xi32, #tpu.memory_space<vmem>>) semaphore(%dma_start3A_322 : memref<!tpu.dma_semaphore, #tpu.memory_space<semaphore_mem>>) {add = true}
      %dma_wait3A_323 = arith.constant 0 : i32
      %dma_wait3A_324 = arith.constant 0 : i32
      %dma_wait3A_325 = arith.constant 0 : i32
      %dma_wait3A_326 = arith.constant 0 : i32
      %dma_wait3A_327 = arith.constant 0 : i32
      %dma_wait3A_328 = tpu.memref_slice %arg6[%dma_wait3A_323, %dma_wait3A_326, %dma_wait3A_327] : memref<3x80x128xf32, #tpu.memory_space<vmem>> -> memref<1x80x128xf32, #tpu.memory_space<vmem>>
      %dma_wait3A_329 = tpu.memref_squeeze %dma_wait3A_328 : memref<1x80x128xf32, #tpu.memory_space<vmem>> -> memref<80x128xf32, #tpu.memory_space<vmem>>
      %dma_wait3A_330 = arith.constant 0 : i32
      %dma_wait3A_331 = tpu.memref_slice %arg5[%dma_wait3A_324, %dma_wait3A_330] : memref<3x80xi32, #tpu.memory_space<vmem>> -> memref<1x80xi32, #tpu.memory_space<vmem>>
      %dma_wait3A_332 = tpu.memref_squeeze %dma_wait3A_331 : memref<1x80xi32, #tpu.memory_space<vmem>> -> memref<80xi32, #tpu.memory_space<vmem>>
      %dma_wait3A_333 = arith.constant 0 : i32
      %dma_wait3A_334 = arith.constant 0 : i32
      %dma_wait3A_335 = tpu.memref_slice %arg8[%dma_wait3A_333, %dma_wait3A_334] : memref<10000x128xf32, #tpu.memory_space<vmem_shared>> -> memref<10000x128xf32, #tpu.memory_space<vmem_shared>>
      %dma_wait3A_336 = tpu.memref_slice %arg11[%dma_wait3A_325] : memref<3x!tpu.dma_semaphore, #tpu.memory_space<semaphore_mem>> -> memref<1x!tpu.dma_semaphore, #tpu.memory_space<semaphore_mem>>
      %dma_wait3A_337 = tpu.memref_squeeze %dma_wait3A_336 : memref<1x!tpu.dma_semaphore, #tpu.memory_space<semaphore_mem>> -> memref<!tpu.dma_semaphore, #tpu.memory_space<semaphore_mem>>
      tpu.wait_indirect_dma semaphore(%dma_wait3A_337 : memref<!tpu.dma_semaphore, #tpu.memory_space<semaphore_mem>>) src(%dma_wait3A_329 : memref<80x128xf32, #tpu.memory_space<vmem>>) dst(%dma_wait3A_335 : memref<10000x128xf32, #tpu.memory_space<vmem_shared>>)
      %add3A_338 = arith.constant 2 : i32
      %add3A_339 = arith.addi %add3A_275, %add3A_338 : i32
      %lt3A = arith.constant 125 : i32
      %lt3A_340 = arith.cmpi slt, %add3A_339, %lt3A : i32
      %convert_element_type3A_341 = arith.extui %lt3A_340 : i1 to i32
      %cond3A_342 = arith.constant 0 : i32
      %cond3A_343 = arith.cmpi ne, %convert_element_type3A_341, %cond3A_342 : i32
      scf.if %cond3A_343 {
        %add3A_494 = arith.constant 2 : i32
        %add3A_495 = arith.addi %add3A_275, %add3A_494 : i32
        %mul3A_496 = arith.constant 80 : i32
        %mul3A_497 = arith.muli %add3A_495, %mul3A_496 : i32
        %add3A_498 = arith.addi %add3A_4, %mul3A_497 : i32
        %dma_start3A_499 = arith.constant 0 : i32
        %dma_start3A_500 = arith.constant 0 : i32
        %dma_start3A_501 = arith.constant 0 : i32
        %dma_start3A_502 = tpu.memref_slice %arg5[%dma_start3A_499, %dma_start3A_501] : memref<3x80xi32, #tpu.memory_space<vmem>> -> memref<1x80xi32, #tpu.memory_space<vmem>>
        %dma_start3A_503 = tpu.memref_squeeze %dma_start3A_502 : memref<1x80xi32, #tpu.memory_space<vmem>> -> memref<80xi32, #tpu.memory_space<vmem>>
        %dma_start3A_504 = tpu.memref_slice %arg2[%add3A_498] : memref<640000xi32, #tpu.memory_space<hbm>> -> memref<80xi32, #tpu.memory_space<hbm>>
        %dma_start3A_505 = tpu.memref_slice %arg9[%dma_start3A_500] : memref<3x!tpu.dma_semaphore, #tpu.memory_space<semaphore_mem>> -> memref<1x!tpu.dma_semaphore, #tpu.memory_space<semaphore_mem>>
        %dma_start3A_506 = tpu.memref_squeeze %dma_start3A_505 : memref<1x!tpu.dma_semaphore, #tpu.memory_space<semaphore_mem>> -> memref<!tpu.dma_semaphore, #tpu.memory_space<semaphore_mem>>
        %dma_start3A_507 = arith.constant 0 : i32
        %dma_start3A_508 = tpu.memref_slice %arg5[%dma_start3A_499, %dma_start3A_507] : memref<3x80xi32, #tpu.memory_space<vmem>> -> memref<1x80xi32, #tpu.memory_space<vmem>>
        %dma_start3A_509 = tpu.memref_squeeze %dma_start3A_508 : memref<1x80xi32, #tpu.memory_space<vmem>> -> memref<80xi32, #tpu.memory_space<vmem>>
        %dma_start3A_510 = tpu.memref_slice %arg2[%add3A_498] : memref<640000xi32, #tpu.memory_space<hbm>> -> memref<80xi32, #tpu.memory_space<hbm>>
        tpu.enqueue_dma source(%dma_start3A_510 : memref<80xi32, #tpu.memory_space<hbm>>) target(%dma_start3A_509 : memref<80xi32, #tpu.memory_space<vmem>>) target_semaphore(%dma_start3A_506 : memref<!tpu.dma_semaphore, #tpu.memory_space<semaphore_mem>>)
        %sub3A_511 = arith.constant 320000 : i32
        %sub3A_512 = arith.subi %add3A_498, %sub3A_511 : i32
        %dma_start3A_513 = arith.constant 0 : i32
        %dma_start3A_514 = arith.constant 0 : i32
        %dma_start3A_515 = arith.constant 0 : i32
        %dma_start3A_516 = arith.constant 0 : i32
        %dma_start3A_517 = tpu.memref_slice %arg6[%dma_start3A_513, %dma_start3A_515, %dma_start3A_516] : memref<3x80x128xf32, #tpu.memory_space<vmem>> -> memref<1x80x128xf32, #tpu.memory_space<vmem>>
        %dma_start3A_518 = tpu.memref_squeeze %dma_start3A_517 : memref<1x80x128xf32, #tpu.memory_space<vmem>> -> memref<80x128xf32, #tpu.memory_space<vmem>>
        %dma_start3A_519 = arith.constant 0 : i32
        %dma_start3A_520 = tpu.memref_slice %arg3[%sub3A_512, %dma_start3A_519] : memref<320000x128xf32, #tpu.memory_space<hbm>> -> memref<80x128xf32, #tpu.memory_space<hbm>>
        %dma_start3A_521 = tpu.memref_slice %arg10[%dma_start3A_514] : memref<3x!tpu.dma_semaphore, #tpu.memory_space<semaphore_mem>> -> memref<1x!tpu.dma_semaphore, #tpu.memory_space<semaphore_mem>>
        %dma_start3A_522 = tpu.memref_squeeze %dma_start3A_521 : memref<1x!tpu.dma_semaphore, #tpu.memory_space<semaphore_mem>> -> memref<!tpu.dma_semaphore, #tpu.memory_space<semaphore_mem>>
        %dma_start3A_523 = arith.constant 0 : i32
        %dma_start3A_524 = arith.constant 0 : i32
        %dma_start3A_525 = tpu.memref_slice %arg6[%dma_start3A_513, %dma_start3A_523, %dma_start3A_524] : memref<3x80x128xf32, #tpu.memory_space<vmem>> -> memref<1x80x128xf32, #tpu.memory_space<vmem>>
        %dma_start3A_526 = tpu.memref_squeeze %dma_start3A_525 : memref<1x80x128xf32, #tpu.memory_space<vmem>> -> memref<80x128xf32, #tpu.memory_space<vmem>>
        %dma_start3A_527 = arith.constant 0 : i32
        %dma_start3A_528 = tpu.memref_slice %arg3[%sub3A_512, %dma_start3A_527] : memref<320000x128xf32, #tpu.memory_space<hbm>> -> memref<80x128xf32, #tpu.memory_space<hbm>>
        tpu.enqueue_dma source(%dma_start3A_528 : memref<80x128xf32, #tpu.memory_space<hbm>>) target(%dma_start3A_526 : memref<80x128xf32, #tpu.memory_space<vmem>>) target_semaphore(%dma_start3A_522 : memref<!tpu.dma_semaphore, #tpu.memory_space<semaphore_mem>>)
      } else {
      }
      %mul3A_344 = arith.constant 3 : i32
      %mul3A_345 = arith.muli %mul3A_344, %scan3A_269 : i32
      %add3A_346 = arith.constant 1 : i32
      %add3A_347 = arith.addi %mul3A_345, %add3A_346 : i32
      %add3A_348 = arith.constant 1 : i32
      %add3A_349 = arith.addi %add3A_347, %add3A_348 : i32
      %dma_wait3A_350 = arith.constant 2 : i32
      %dma_wait3A_351 = arith.constant 2 : i32
      %dma_wait3A_352 = arith.constant 0 : i32
      %dma_wait3A_353 = tpu.memref_slice %arg5[%dma_wait3A_350, %dma_wait3A_352] : memref<3x80xi32, #tpu.memory_space<vmem>> -> memref<1x80xi32, #tpu.memory_space<vmem>>
      %dma_wait3A_354 = tpu.memref_squeeze %dma_wait3A_353 : memref<1x80xi32, #tpu.memory_space<vmem>> -> memref<80xi32, #tpu.memory_space<vmem>>
      %dma_wait3A_355 = arith.constant 0 : i32
      %dma_wait3A_356 = tpu.memref_slice %arg2[%dma_wait3A_355] : memref<640000xi32, #tpu.memory_space<hbm>> -> memref<80xi32, #tpu.memory_space<hbm>>
      %dma_wait3A_357 = tpu.memref_slice %arg9[%dma_wait3A_351] : memref<3x!tpu.dma_semaphore, #tpu.memory_space<semaphore_mem>> -> memref<1x!tpu.dma_semaphore, #tpu.memory_space<semaphore_mem>>
      %dma_wait3A_358 = tpu.memref_squeeze %dma_wait3A_357 : memref<1x!tpu.dma_semaphore, #tpu.memory_space<semaphore_mem>> -> memref<!tpu.dma_semaphore, #tpu.memory_space<semaphore_mem>>
      %dma_wait3A_359 = arith.constant 0 : i32
      %dma_wait3A_360 = tpu.memref_slice %arg5[%dma_wait3A_350, %dma_wait3A_359] : memref<3x80xi32, #tpu.memory_space<vmem>> -> memref<1x80xi32, #tpu.memory_space<vmem>>
      %dma_wait3A_361 = tpu.memref_squeeze %dma_wait3A_360 : memref<1x80xi32, #tpu.memory_space<vmem>> -> memref<80xi32, #tpu.memory_space<vmem>>
      %dma_wait3A_362 = arith.constant 0 : i32
      %dma_wait3A_363 = tpu.memref_slice %arg2[%dma_wait3A_362] : memref<640000xi32, #tpu.memory_space<hbm>> -> memref<80xi32, #tpu.memory_space<hbm>>
      tpu.wait_dma2 semaphore(%dma_wait3A_358 : memref<!tpu.dma_semaphore, #tpu.memory_space<semaphore_mem>>) src(%dma_wait3A_363 : memref<80xi32, #tpu.memory_space<hbm>>) dst(%dma_wait3A_361 : memref<80xi32, #tpu.memory_space<vmem>>)
      %dma_wait3A_364 = arith.constant 2 : i32
      %dma_wait3A_365 = arith.constant 2 : i32
      %dma_wait3A_366 = arith.constant 0 : i32
      %dma_wait3A_367 = arith.constant 0 : i32
      %dma_wait3A_368 = tpu.memref_slice %arg6[%dma_wait3A_364, %dma_wait3A_366, %dma_wait3A_367] : memref<3x80x128xf32, #tpu.memory_space<vmem>> -> memref<1x80x128xf32, #tpu.memory_space<vmem>>
      %dma_wait3A_369 = tpu.memref_squeeze %dma_wait3A_368 : memref<1x80x128xf32, #tpu.memory_space<vmem>> -> memref<80x128xf32, #tpu.memory_space<vmem>>
      %dma_wait3A_370 = arith.constant 0 : i32
      %dma_wait3A_371 = arith.constant 0 : i32
      %dma_wait3A_372 = tpu.memref_slice %arg3[%dma_wait3A_370, %dma_wait3A_371] : memref<320000x128xf32, #tpu.memory_space<hbm>> -> memref<80x128xf32, #tpu.memory_space<hbm>>
      %dma_wait3A_373 = tpu.memref_slice %arg10[%dma_wait3A_365] : memref<3x!tpu.dma_semaphore, #tpu.memory_space<semaphore_mem>> -> memref<1x!tpu.dma_semaphore, #tpu.memory_space<semaphore_mem>>
      %dma_wait3A_374 = tpu.memref_squeeze %dma_wait3A_373 : memref<1x!tpu.dma_semaphore, #tpu.memory_space<semaphore_mem>> -> memref<!tpu.dma_semaphore, #tpu.memory_space<semaphore_mem>>
      %dma_wait3A_375 = arith.constant 0 : i32
      %dma_wait3A_376 = arith.constant 0 : i32
      %dma_wait3A_377 = tpu.memref_slice %arg6[%dma_wait3A_364, %dma_wait3A_375, %dma_wait3A_376] : memref<3x80x128xf32, #tpu.memory_space<vmem>> -> memref<1x80x128xf32, #tpu.memory_space<vmem>>
      %dma_wait3A_378 = tpu.memref_squeeze %dma_wait3A_377 : memref<1x80x128xf32, #tpu.memory_space<vmem>> -> memref<80x128xf32, #tpu.memory_space<vmem>>
      %dma_wait3A_379 = arith.constant 0 : i32
      %dma_wait3A_380 = arith.constant 0 : i32
      %dma_wait3A_381 = tpu.memref_slice %arg3[%dma_wait3A_379, %dma_wait3A_380] : memref<320000x128xf32, #tpu.memory_space<hbm>> -> memref<80x128xf32, #tpu.memory_space<hbm>>
      tpu.wait_dma2 semaphore(%dma_wait3A_374 : memref<!tpu.dma_semaphore, #tpu.memory_space<semaphore_mem>>) src(%dma_wait3A_381 : memref<80x128xf32, #tpu.memory_space<hbm>>) dst(%dma_wait3A_378 : memref<80x128xf32, #tpu.memory_space<vmem>>)
      %dma_start3A_382 = arith.constant 2 : i32
      %dma_start3A_383 = arith.constant 2 : i32
      %dma_start3A_384 = arith.constant 2 : i32
      %dma_start3A_385 = arith.constant 0 : i32
      %dma_start3A_386 = arith.constant 0 : i32
      %dma_start3A_387 = tpu.memref_slice %arg6[%dma_start3A_382, %dma_start3A_385, %dma_start3A_386] : memref<3x80x128xf32, #tpu.memory_space<vmem>> -> memref<1x80x128xf32, #tpu.memory_space<vmem>>
      %dma_start3A_388 = tpu.memref_squeeze %dma_start3A_387 : memref<1x80x128xf32, #tpu.memory_space<vmem>> -> memref<80x128xf32, #tpu.memory_space<vmem>>
      %dma_start3A_389 = arith.constant 0 : i32
      %dma_start3A_390 = tpu.memref_slice %arg5[%dma_start3A_383, %dma_start3A_389] : memref<3x80xi32, #tpu.memory_space<vmem>> -> memref<1x80xi32, #tpu.memory_space<vmem>>
      %dma_start3A_391 = tpu.memref_squeeze %dma_start3A_390 : memref<1x80xi32, #tpu.memory_space<vmem>> -> memref<80xi32, #tpu.memory_space<vmem>>
      %dma_start3A_392 = arith.constant 0 : i32
      %dma_start3A_393 = arith.constant 0 : i32
      %dma_start3A_394 = tpu.memref_slice %arg8[%dma_start3A_392, %dma_start3A_393] : memref<10000x128xf32, #tpu.memory_space<vmem_shared>> -> memref<10000x128xf32, #tpu.memory_space<vmem_shared>>
      %dma_start3A_395 = tpu.memref_slice %arg11[%dma_start3A_384] : memref<3x!tpu.dma_semaphore, #tpu.memory_space<semaphore_mem>> -> memref<1x!tpu.dma_semaphore, #tpu.memory_space<semaphore_mem>>
      %dma_start3A_396 = tpu.memref_squeeze %dma_start3A_395 : memref<1x!tpu.dma_semaphore, #tpu.memory_space<semaphore_mem>> -> memref<!tpu.dma_semaphore, #tpu.memory_space<semaphore_mem>>
      tpu.enqueue_indirect_dma source(%dma_start3A_388 : memref<80x128xf32, #tpu.memory_space<vmem>>) target(%dma_start3A_394 : memref<10000x128xf32, #tpu.memory_space<vmem_shared>>) offsets(%dma_start3A_391 : memref<80xi32, #tpu.memory_space<vmem>>) semaphore(%dma_start3A_396 : memref<!tpu.dma_semaphore, #tpu.memory_space<semaphore_mem>>) {add = true}
      %dma_wait3A_397 = arith.constant 1 : i32
      %dma_wait3A_398 = arith.constant 1 : i32
      %dma_wait3A_399 = arith.constant 1 : i32
      %dma_wait3A_400 = arith.constant 0 : i32
      %dma_wait3A_401 = arith.constant 0 : i32
      %dma_wait3A_402 = tpu.memref_slice %arg6[%dma_wait3A_397, %dma_wait3A_400, %dma_wait3A_401] : memref<3x80x128xf32, #tpu.memory_space<vmem>> -> memref<1x80x128xf32, #tpu.memory_space<vmem>>
      %dma_wait3A_403 = tpu.memref_squeeze %dma_wait3A_402 : memref<1x80x128xf32, #tpu.memory_space<vmem>> -> memref<80x128xf32, #tpu.memory_space<vmem>>
      %dma_wait3A_404 = arith.constant 0 : i32
      %dma_wait3A_405 = tpu.memref_slice %arg5[%dma_wait3A_398, %dma_wait3A_404] : memref<3x80xi32, #tpu.memory_space<vmem>> -> memref<1x80xi32, #tpu.memory_space<vmem>>
      %dma_wait3A_406 = tpu.memref_squeeze %dma_wait3A_405 : memref<1x80xi32, #tpu.memory_space<vmem>> -> memref<80xi32, #tpu.memory_space<vmem>>
      %dma_wait3A_407 = arith.constant 0 : i32
      %dma_wait3A_408 = arith.constant 0 : i32
      %dma_wait3A_409 = tpu.memref_slice %arg8[%dma_wait3A_407, %dma_wait3A_408] : memref<10000x128xf32, #tpu.memory_space<vmem_shared>> -> memref<10000x128xf32, #tpu.memory_space<vmem_shared>>
      %dma_wait3A_410 = tpu.memref_slice %arg11[%dma_wait3A_399] : memref<3x!tpu.dma_semaphore, #tpu.memory_space<semaphore_mem>> -> memref<1x!tpu.dma_semaphore, #tpu.memory_space<semaphore_mem>>
      %dma_wait3A_411 = tpu.memref_squeeze %dma_wait3A_410 : memref<1x!tpu.dma_semaphore, #tpu.memory_space<semaphore_mem>> -> memref<!tpu.dma_semaphore, #tpu.memory_space<semaphore_mem>>
      tpu.wait_indirect_dma semaphore(%dma_wait3A_411 : memref<!tpu.dma_semaphore, #tpu.memory_space<semaphore_mem>>) src(%dma_wait3A_403 : memref<80x128xf32, #tpu.memory_space<vmem>>) dst(%dma_wait3A_409 : memref<10000x128xf32, #tpu.memory_space<vmem_shared>>)
      %add3A_412 = arith.constant 2 : i32
      %add3A_413 = arith.addi %add3A_349, %add3A_412 : i32
      %lt3A_414 = arith.constant 125 : i32
      %lt3A_415 = arith.cmpi slt, %add3A_413, %lt3A_414 : i32
      %convert_element_type3A_416 = arith.extui %lt3A_415 : i1 to i32
      %cond3A_417 = arith.constant 0 : i32
      %cond3A_418 = arith.cmpi ne, %convert_element_type3A_416, %cond3A_417 : i32
      scf.if %cond3A_418 {
        %add3A_494 = arith.constant 2 : i32
        %add3A_495 = arith.addi %add3A_349, %add3A_494 : i32
        %mul3A_496 = arith.constant 80 : i32
        %mul3A_497 = arith.muli %add3A_495, %mul3A_496 : i32
        %add3A_498 = arith.addi %add3A_4, %mul3A_497 : i32
        %dma_start3A_499 = arith.constant 1 : i32
        %dma_start3A_500 = arith.constant 1 : i32
        %dma_start3A_501 = arith.constant 0 : i32
        %dma_start3A_502 = tpu.memref_slice %arg5[%dma_start3A_499, %dma_start3A_501] : memref<3x80xi32, #tpu.memory_space<vmem>> -> memref<1x80xi32, #tpu.memory_space<vmem>>
        %dma_start3A_503 = tpu.memref_squeeze %dma_start3A_502 : memref<1x80xi32, #tpu.memory_space<vmem>> -> memref<80xi32, #tpu.memory_space<vmem>>
        %dma_start3A_504 = tpu.memref_slice %arg2[%add3A_498] : memref<640000xi32, #tpu.memory_space<hbm>> -> memref<80xi32, #tpu.memory_space<hbm>>
        %dma_start3A_505 = tpu.memref_slice %arg9[%dma_start3A_500] : memref<3x!tpu.dma_semaphore, #tpu.memory_space<semaphore_mem>> -> memref<1x!tpu.dma_semaphore, #tpu.memory_space<semaphore_mem>>
        %dma_start3A_506 = tpu.memref_squeeze %dma_start3A_505 : memref<1x!tpu.dma_semaphore, #tpu.memory_space<semaphore_mem>> -> memref<!tpu.dma_semaphore, #tpu.memory_space<semaphore_mem>>
        %dma_start3A_507 = arith.constant 0 : i32
        %dma_start3A_508 = tpu.memref_slice %arg5[%dma_start3A_499, %dma_start3A_507] : memref<3x80xi32, #tpu.memory_space<vmem>> -> memref<1x80xi32, #tpu.memory_space<vmem>>
        %dma_start3A_509 = tpu.memref_squeeze %dma_start3A_508 : memref<1x80xi32, #tpu.memory_space<vmem>> -> memref<80xi32, #tpu.memory_space<vmem>>
        %dma_start3A_510 = tpu.memref_slice %arg2[%add3A_498] : memref<640000xi32, #tpu.memory_space<hbm>> -> memref<80xi32, #tpu.memory_space<hbm>>
        tpu.enqueue_dma source(%dma_start3A_510 : memref<80xi32, #tpu.memory_space<hbm>>) target(%dma_start3A_509 : memref<80xi32, #tpu.memory_space<vmem>>) target_semaphore(%dma_start3A_506 : memref<!tpu.dma_semaphore, #tpu.memory_space<semaphore_mem>>)
        %sub3A_511 = arith.constant 320000 : i32
        %sub3A_512 = arith.subi %add3A_498, %sub3A_511 : i32
        %dma_start3A_513 = arith.constant 1 : i32
        %dma_start3A_514 = arith.constant 1 : i32
        %dma_start3A_515 = arith.constant 0 : i32
        %dma_start3A_516 = arith.constant 0 : i32
        %dma_start3A_517 = tpu.memref_slice %arg6[%dma_start3A_513, %dma_start3A_515, %dma_start3A_516] : memref<3x80x128xf32, #tpu.memory_space<vmem>> -> memref<1x80x128xf32, #tpu.memory_space<vmem>>
        %dma_start3A_518 = tpu.memref_squeeze %dma_start3A_517 : memref<1x80x128xf32, #tpu.memory_space<vmem>> -> memref<80x128xf32, #tpu.memory_space<vmem>>
        %dma_start3A_519 = arith.constant 0 : i32
        %dma_start3A_520 = tpu.memref_slice %arg3[%sub3A_512, %dma_start3A_519] : memref<320000x128xf32, #tpu.memory_space<hbm>> -> memref<80x128xf32, #tpu.memory_space<hbm>>
        %dma_start3A_521 = tpu.memref_slice %arg10[%dma_start3A_514] : memref<3x!tpu.dma_semaphore, #tpu.memory_space<semaphore_mem>> -> memref<1x!tpu.dma_semaphore, #tpu.memory_space<semaphore_mem>>
        %dma_start3A_522 = tpu.memref_squeeze %dma_start3A_521 : memref<1x!tpu.dma_semaphore, #tpu.memory_space<semaphore_mem>> -> memref<!tpu.dma_semaphore, #tpu.memory_space<semaphore_mem>>
        %dma_start3A_523 = arith.constant 0 : i32
        %dma_start3A_524 = arith.constant 0 : i32
        %dma_start3A_525 = tpu.memref_slice %arg6[%dma_start3A_513, %dma_start3A_523, %dma_start3A_524] : memref<3x80x128xf32, #tpu.memory_space<vmem>> -> memref<1x80x128xf32, #tpu.memory_space<vmem>>
        %dma_start3A_526 = tpu.memref_squeeze %dma_start3A_525 : memref<1x80x128xf32, #tpu.memory_space<vmem>> -> memref<80x128xf32, #tpu.memory_space<vmem>>
        %dma_start3A_527 = arith.constant 0 : i32
        %dma_start3A_528 = tpu.memref_slice %arg3[%sub3A_512, %dma_start3A_527] : memref<320000x128xf32, #tpu.memory_space<hbm>> -> memref<80x128xf32, #tpu.memory_space<hbm>>
        tpu.enqueue_dma source(%dma_start3A_528 : memref<80x128xf32, #tpu.memory_space<hbm>>) target(%dma_start3A_526 : memref<80x128xf32, #tpu.memory_space<vmem>>) target_semaphore(%dma_start3A_522 : memref<!tpu.dma_semaphore, #tpu.memory_space<semaphore_mem>>)
      } else {
      }
      %mul3A_419 = arith.constant 3 : i32
      %mul3A_420 = arith.muli %mul3A_419, %scan3A_269 : i32
      %add3A_421 = arith.constant 1 : i32
      %add3A_422 = arith.addi %mul3A_420, %add3A_421 : i32
      %add3A_423 = arith.constant 2 : i32
      %add3A_424 = arith.addi %add3A_422, %add3A_423 : i32
      %dma_wait3A_425 = arith.constant 0 : i32
      %dma_wait3A_426 = arith.constant 0 : i32
      %dma_wait3A_427 = arith.constant 0 : i32
      %dma_wait3A_428 = tpu.memref_slice %arg5[%dma_wait3A_425, %dma_wait3A_427] : memref<3x80xi32, #tpu.memory_space<vmem>> -> memref<1x80xi32, #tpu.memory_space<vmem>>
      %dma_wait3A_429 = tpu.memref_squeeze %dma_wait3A_428 : memref<1x80xi32, #tpu.memory_space<vmem>> -> memref<80xi32, #tpu.memory_space<vmem>>
      %dma_wait3A_430 = arith.constant 0 : i32
      %dma_wait3A_431 = tpu.memref_slice %arg2[%dma_wait3A_430] : memref<640000xi32, #tpu.memory_space<hbm>> -> memref<80xi32, #tpu.memory_space<hbm>>
      %dma_wait3A_432 = tpu.memref_slice %arg9[%dma_wait3A_426] : memref<3x!tpu.dma_semaphore, #tpu.memory_space<semaphore_mem>> -> memref<1x!tpu.dma_semaphore, #tpu.memory_space<semaphore_mem>>
      %dma_wait3A_433 = tpu.memref_squeeze %dma_wait3A_432 : memref<1x!tpu.dma_semaphore, #tpu.memory_space<semaphore_mem>> -> memref<!tpu.dma_semaphore, #tpu.memory_space<semaphore_mem>>
      %dma_wait3A_434 = arith.constant 0 : i32
      %dma_wait3A_435 = tpu.memref_slice %arg5[%dma_wait3A_425, %dma_wait3A_434] : memref<3x80xi32, #tpu.memory_space<vmem>> -> memref<1x80xi32, #tpu.memory_space<vmem>>
      %dma_wait3A_436 = tpu.memref_squeeze %dma_wait3A_435 : memref<1x80xi32, #tpu.memory_space<vmem>> -> memref<80xi32, #tpu.memory_space<vmem>>
      %dma_wait3A_437 = arith.constant 0 : i32
      %dma_wait3A_438 = tpu.memref_slice %arg2[%dma_wait3A_437] : memref<640000xi32, #tpu.memory_space<hbm>> -> memref<80xi32, #tpu.memory_space<hbm>>
      tpu.wait_dma2 semaphore(%dma_wait3A_433 : memref<!tpu.dma_semaphore, #tpu.memory_space<semaphore_mem>>) src(%dma_wait3A_438 : memref<80xi32, #tpu.memory_space<hbm>>) dst(%dma_wait3A_436 : memref<80xi32, #tpu.memory_space<vmem>>)
      %dma_wait3A_439 = arith.constant 0 : i32
      %dma_wait3A_440 = arith.constant 0 : i32
      %dma_wait3A_441 = arith.constant 0 : i32
      %dma_wait3A_442 = arith.constant 0 : i32
      %dma_wait3A_443 = tpu.memref_slice %arg6[%dma_wait3A_439, %dma_wait3A_441, %dma_wait3A_442] : memref<3x80x128xf32, #tpu.memory_space<vmem>> -> memref<1x80x128xf32, #tpu.memory_space<vmem>>
      %dma_wait3A_444 = tpu.memref_squeeze %dma_wait3A_443 : memref<1x80x128xf32, #tpu.memory_space<vmem>> -> memref<80x128xf32, #tpu.memory_space<vmem>>
      %dma_wait3A_445 = arith.constant 0 : i32
      %dma_wait3A_446 = arith.constant 0 : i32
      %dma_wait3A_447 = tpu.memref_slice %arg3[%dma_wait3A_445, %dma_wait3A_446] : memref<320000x128xf32, #tpu.memory_space<hbm>> -> memref<80x128xf32, #tpu.memory_space<hbm>>
      %dma_wait3A_448 = tpu.memref_slice %arg10[%dma_wait3A_440] : memref<3x!tpu.dma_semaphore, #tpu.memory_space<semaphore_mem>> -> memref<1x!tpu.dma_semaphore, #tpu.memory_space<semaphore_mem>>
      %dma_wait3A_449 = tpu.memref_squeeze %dma_wait3A_448 : memref<1x!tpu.dma_semaphore, #tpu.memory_space<semaphore_mem>> -> memref<!tpu.dma_semaphore, #tpu.memory_space<semaphore_mem>>
      %dma_wait3A_450 = arith.constant 0 : i32
      %dma_wait3A_451 = arith.constant 0 : i32
      %dma_wait3A_452 = tpu.memref_slice %arg6[%dma_wait3A_439, %dma_wait3A_450, %dma_wait3A_451] : memref<3x80x128xf32, #tpu.memory_space<vmem>> -> memref<1x80x128xf32, #tpu.memory_space<vmem>>
      %dma_wait3A_453 = tpu.memref_squeeze %dma_wait3A_452 : memref<1x80x128xf32, #tpu.memory_space<vmem>> -> memref<80x128xf32, #tpu.memory_space<vmem>>
      %dma_wait3A_454 = arith.constant 0 : i32
      %dma_wait3A_455 = arith.constant 0 : i32
      %dma_wait3A_456 = tpu.memref_slice %arg3[%dma_wait3A_454, %dma_wait3A_455] : memref<320000x128xf32, #tpu.memory_space<hbm>> -> memref<80x128xf32, #tpu.memory_space<hbm>>
      tpu.wait_dma2 semaphore(%dma_wait3A_449 : memref<!tpu.dma_semaphore, #tpu.memory_space<semaphore_mem>>) src(%dma_wait3A_456 : memref<80x128xf32, #tpu.memory_space<hbm>>) dst(%dma_wait3A_453 : memref<80x128xf32, #tpu.memory_space<vmem>>)
      %dma_start3A_457 = arith.constant 0 : i32
      %dma_start3A_458 = arith.constant 0 : i32
      %dma_start3A_459 = arith.constant 0 : i32
      %dma_start3A_460 = arith.constant 0 : i32
      %dma_start3A_461 = arith.constant 0 : i32
      %dma_start3A_462 = tpu.memref_slice %arg6[%dma_start3A_457, %dma_start3A_460, %dma_start3A_461] : memref<3x80x128xf32, #tpu.memory_space<vmem>> -> memref<1x80x128xf32, #tpu.memory_space<vmem>>
      %dma_start3A_463 = tpu.memref_squeeze %dma_start3A_462 : memref<1x80x128xf32, #tpu.memory_space<vmem>> -> memref<80x128xf32, #tpu.memory_space<vmem>>
      %dma_start3A_464 = arith.constant 0 : i32
      %dma_start3A_465 = tpu.memref_slice %arg5[%dma_start3A_458, %dma_start3A_464] : memref<3x80xi32, #tpu.memory_space<vmem>> -> memref<1x80xi32, #tpu.memory_space<vmem>>
      %dma_start3A_466 = tpu.memref_squeeze %dma_start3A_465 : memref<1x80xi32, #tpu.memory_space<vmem>> -> memref<80xi32, #tpu.memory_space<vmem>>
      %dma_start3A_467 = arith.constant 0 : i32
      %dma_start3A_468 = arith.constant 0 : i32
      %dma_start3A_469 = tpu.memref_slice %arg8[%dma_start3A_467, %dma_start3A_468] : memref<10000x128xf32, #tpu.memory_space<vmem_shared>> -> memref<10000x128xf32, #tpu.memory_space<vmem_shared>>
      %dma_start3A_470 = tpu.memref_slice %arg11[%dma_start3A_459] : memref<3x!tpu.dma_semaphore, #tpu.memory_space<semaphore_mem>> -> memref<1x!tpu.dma_semaphore, #tpu.memory_space<semaphore_mem>>
      %dma_start3A_471 = tpu.memref_squeeze %dma_start3A_470 : memref<1x!tpu.dma_semaphore, #tpu.memory_space<semaphore_mem>> -> memref<!tpu.dma_semaphore, #tpu.memory_space<semaphore_mem>>
      tpu.enqueue_indirect_dma source(%dma_start3A_463 : memref<80x128xf32, #tpu.memory_space<vmem>>) target(%dma_start3A_469 : memref<10000x128xf32, #tpu.memory_space<vmem_shared>>) offsets(%dma_start3A_466 : memref<80xi32, #tpu.memory_space<vmem>>) semaphore(%dma_start3A_471 : memref<!tpu.dma_semaphore, #tpu.memory_space<semaphore_mem>>) {add = true}
      %dma_wait3A_472 = arith.constant 2 : i32
      %dma_wait3A_473 = arith.constant 2 : i32
      %dma_wait3A_474 = arith.constant 2 : i32
      %dma_wait3A_475 = arith.constant 0 : i32
      %dma_wait3A_476 = arith.constant 0 : i32
      %dma_wait3A_477 = tpu.memref_slice %arg6[%dma_wait3A_472, %dma_wait3A_475, %dma_wait3A_476] : memref<3x80x128xf32, #tpu.memory_space<vmem>> -> memref<1x80x128xf32, #tpu.memory_space<vmem>>
      %dma_wait3A_478 = tpu.memref_squeeze %dma_wait3A_477 : memref<1x80x128xf32, #tpu.memory_space<vmem>> -> memref<80x128xf32, #tpu.memory_space<vmem>>
      %dma_wait3A_479 = arith.constant 0 : i32
      %dma_wait3A_480 = tpu.memref_slice %arg5[%dma_wait3A_473, %dma_wait3A_479] : memref<3x80xi32, #tpu.memory_space<vmem>> -> memref<1x80xi32, #tpu.memory_space<vmem>>
      %dma_wait3A_481 = tpu.memref_squeeze %dma_wait3A_480 : memref<1x80xi32, #tpu.memory_space<vmem>> -> memref<80xi32, #tpu.memory_space<vmem>>
      %dma_wait3A_482 = arith.constant 0 : i32
      %dma_wait3A_483 = arith.constant 0 : i32
      %dma_wait3A_484 = tpu.memref_slice %arg8[%dma_wait3A_482, %dma_wait3A_483] : memref<10000x128xf32, #tpu.memory_space<vmem_shared>> -> memref<10000x128xf32, #tpu.memory_space<vmem_shared>>
      %dma_wait3A_485 = tpu.memref_slice %arg11[%dma_wait3A_474] : memref<3x!tpu.dma_semaphore, #tpu.memory_space<semaphore_mem>> -> memref<1x!tpu.dma_semaphore, #tpu.memory_space<semaphore_mem>>
      %dma_wait3A_486 = tpu.memref_squeeze %dma_wait3A_485 : memref<1x!tpu.dma_semaphore, #tpu.memory_space<semaphore_mem>> -> memref<!tpu.dma_semaphore, #tpu.memory_space<semaphore_mem>>
      tpu.wait_indirect_dma semaphore(%dma_wait3A_486 : memref<!tpu.dma_semaphore, #tpu.memory_space<semaphore_mem>>) src(%dma_wait3A_478 : memref<80x128xf32, #tpu.memory_space<vmem>>) dst(%dma_wait3A_484 : memref<10000x128xf32, #tpu.memory_space<vmem_shared>>)
      %add3A_487 = arith.constant 2 : i32
      %add3A_488 = arith.addi %add3A_424, %add3A_487 : i32
      %lt3A_489 = arith.constant 125 : i32
      %lt3A_490 = arith.cmpi slt, %add3A_488, %lt3A_489 : i32
      %convert_element_type3A_491 = arith.extui %lt3A_490 : i1 to i32
      %cond3A_492 = arith.constant 0 : i32
      %cond3A_493 = arith.cmpi ne, %convert_element_type3A_491, %cond3A_492 : i32
      scf.if %cond3A_493 {
        %add3A_494 = arith.constant 2 : i32
        %add3A_495 = arith.addi %add3A_424, %add3A_494 : i32
        %mul3A_496 = arith.constant 80 : i32
        %mul3A_497 = arith.muli %add3A_495, %mul3A_496 : i32
        %add3A_498 = arith.addi %add3A_4, %mul3A_497 : i32
        %dma_start3A_499 = arith.constant 2 : i32
        %dma_start3A_500 = arith.constant 2 : i32
        %dma_start3A_501 = arith.constant 0 : i32
        %dma_start3A_502 = tpu.memref_slice %arg5[%dma_start3A_499, %dma_start3A_501] : memref<3x80xi32, #tpu.memory_space<vmem>> -> memref<1x80xi32, #tpu.memory_space<vmem>>
        %dma_start3A_503 = tpu.memref_squeeze %dma_start3A_502 : memref<1x80xi32, #tpu.memory_space<vmem>> -> memref<80xi32, #tpu.memory_space<vmem>>
        %dma_start3A_504 = tpu.memref_slice %arg2[%add3A_498] : memref<640000xi32, #tpu.memory_space<hbm>> -> memref<80xi32, #tpu.memory_space<hbm>>
        %dma_start3A_505 = tpu.memref_slice %arg9[%dma_start3A_500] : memref<3x!tpu.dma_semaphore, #tpu.memory_space<semaphore_mem>> -> memref<1x!tpu.dma_semaphore, #tpu.memory_space<semaphore_mem>>
        %dma_start3A_506 = tpu.memref_squeeze %dma_start3A_505 : memref<1x!tpu.dma_semaphore, #tpu.memory_space<semaphore_mem>> -> memref<!tpu.dma_semaphore, #tpu.memory_space<semaphore_mem>>
        %dma_start3A_507 = arith.constant 0 : i32
        %dma_start3A_508 = tpu.memref_slice %arg5[%dma_start3A_499, %dma_start3A_507] : memref<3x80xi32, #tpu.memory_space<vmem>> -> memref<1x80xi32, #tpu.memory_space<vmem>>
        %dma_start3A_509 = tpu.memref_squeeze %dma_start3A_508 : memref<1x80xi32, #tpu.memory_space<vmem>> -> memref<80xi32, #tpu.memory_space<vmem>>
        %dma_start3A_510 = tpu.memref_slice %arg2[%add3A_498] : memref<640000xi32, #tpu.memory_space<hbm>> -> memref<80xi32, #tpu.memory_space<hbm>>
        tpu.enqueue_dma source(%dma_start3A_510 : memref<80xi32, #tpu.memory_space<hbm>>) target(%dma_start3A_509 : memref<80xi32, #tpu.memory_space<vmem>>) target_semaphore(%dma_start3A_506 : memref<!tpu.dma_semaphore, #tpu.memory_space<semaphore_mem>>)
        %sub3A_511 = arith.constant 320000 : i32
        %sub3A_512 = arith.subi %add3A_498, %sub3A_511 : i32
        %dma_start3A_513 = arith.constant 2 : i32
        %dma_start3A_514 = arith.constant 2 : i32
        %dma_start3A_515 = arith.constant 0 : i32
        %dma_start3A_516 = arith.constant 0 : i32
        %dma_start3A_517 = tpu.memref_slice %arg6[%dma_start3A_513, %dma_start3A_515, %dma_start3A_516] : memref<3x80x128xf32, #tpu.memory_space<vmem>> -> memref<1x80x128xf32, #tpu.memory_space<vmem>>
        %dma_start3A_518 = tpu.memref_squeeze %dma_start3A_517 : memref<1x80x128xf32, #tpu.memory_space<vmem>> -> memref<80x128xf32, #tpu.memory_space<vmem>>
        %dma_start3A_519 = arith.constant 0 : i32
        %dma_start3A_520 = tpu.memref_slice %arg3[%sub3A_512, %dma_start3A_519] : memref<320000x128xf32, #tpu.memory_space<hbm>> -> memref<80x128xf32, #tpu.memory_space<hbm>>
        %dma_start3A_521 = tpu.memref_slice %arg10[%dma_start3A_514] : memref<3x!tpu.dma_semaphore, #tpu.memory_space<semaphore_mem>> -> memref<1x!tpu.dma_semaphore, #tpu.memory_space<semaphore_mem>>
        %dma_start3A_522 = tpu.memref_squeeze %dma_start3A_521 : memref<1x!tpu.dma_semaphore, #tpu.memory_space<semaphore_mem>> -> memref<!tpu.dma_semaphore, #tpu.memory_space<semaphore_mem>>
        %dma_start3A_523 = arith.constant 0 : i32
        %dma_start3A_524 = arith.constant 0 : i32
        %dma_start3A_525 = tpu.memref_slice %arg6[%dma_start3A_513, %dma_start3A_523, %dma_start3A_524] : memref<3x80x128xf32, #tpu.memory_space<vmem>> -> memref<1x80x128xf32, #tpu.memory_space<vmem>>
        %dma_start3A_526 = tpu.memref_squeeze %dma_start3A_525 : memref<1x80x128xf32, #tpu.memory_space<vmem>> -> memref<80x128xf32, #tpu.memory_space<vmem>>
        %dma_start3A_527 = arith.constant 0 : i32
        %dma_start3A_528 = tpu.memref_slice %arg3[%sub3A_512, %dma_start3A_527] : memref<320000x128xf32, #tpu.memory_space<hbm>> -> memref<80x128xf32, #tpu.memory_space<hbm>>
        tpu.enqueue_dma source(%dma_start3A_528 : memref<80x128xf32, #tpu.memory_space<hbm>>) target(%dma_start3A_526 : memref<80x128xf32, #tpu.memory_space<vmem>>) target_semaphore(%dma_start3A_522 : memref<!tpu.dma_semaphore, #tpu.memory_space<semaphore_mem>>)
      } else {
      }
    }
    %scan3A_181 = arith.constant 41 : i32
    %dma_wait3A_182 = arith.constant 1 : i32
    %dma_wait3A_183 = arith.constant 1 : i32
    %dma_wait3A_184 = arith.constant 0 : i32
    %dma_wait3A_185 = tpu.memref_slice %arg5[%dma_wait3A_182, %dma_wait3A_184] : memref<3x80xi32, #tpu.memory_space<vmem>> -> memref<1x80xi32, #tpu.memory_space<vmem>>
    %dma_wait3A_186 = tpu.memref_squeeze %dma_wait3A_185 : memref<1x80xi32, #tpu.memory_space<vmem>> -> memref<80xi32, #tpu.memory_space<vmem>>
    %dma_wait3A_187 = arith.constant 0 : i32
    %dma_wait3A_188 = tpu.memref_slice %arg2[%dma_wait3A_187] : memref<640000xi32, #tpu.memory_space<hbm>> -> memref<80xi32, #tpu.memory_space<hbm>>
    %dma_wait3A_189 = tpu.memref_slice %arg9[%dma_wait3A_183] : memref<3x!tpu.dma_semaphore, #tpu.memory_space<semaphore_mem>> -> memref<1x!tpu.dma_semaphore, #tpu.memory_space<semaphore_mem>>
    %dma_wait3A_190 = tpu.memref_squeeze %dma_wait3A_189 : memref<1x!tpu.dma_semaphore, #tpu.memory_space<semaphore_mem>> -> memref<!tpu.dma_semaphore, #tpu.memory_space<semaphore_mem>>
    %dma_wait3A_191 = arith.constant 0 : i32
    %dma_wait3A_192 = tpu.memref_slice %arg5[%dma_wait3A_182, %dma_wait3A_191] : memref<3x80xi32, #tpu.memory_space<vmem>> -> memref<1x80xi32, #tpu.memory_space<vmem>>
    %dma_wait3A_193 = tpu.memref_squeeze %dma_wait3A_192 : memref<1x80xi32, #tpu.memory_space<vmem>> -> memref<80xi32, #tpu.memory_space<vmem>>
    %dma_wait3A_194 = arith.constant 0 : i32
    %dma_wait3A_195 = tpu.memref_slice %arg2[%dma_wait3A_194] : memref<640000xi32, #tpu.memory_space<hbm>> -> memref<80xi32, #tpu.memory_space<hbm>>
    tpu.wait_dma2 semaphore(%dma_wait3A_190 : memref<!tpu.dma_semaphore, #tpu.memory_space<semaphore_mem>>) src(%dma_wait3A_195 : memref<80xi32, #tpu.memory_space<hbm>>) dst(%dma_wait3A_193 : memref<80xi32, #tpu.memory_space<vmem>>)
    %dma_wait3A_196 = arith.constant 1 : i32
    %dma_wait3A_197 = arith.constant 1 : i32
    %dma_wait3A_198 = arith.constant 0 : i32
    %dma_wait3A_199 = arith.constant 0 : i32
    %dma_wait3A_200 = tpu.memref_slice %arg6[%dma_wait3A_196, %dma_wait3A_198, %dma_wait3A_199] : memref<3x80x128xf32, #tpu.memory_space<vmem>> -> memref<1x80x128xf32, #tpu.memory_space<vmem>>
    %dma_wait3A_201 = tpu.memref_squeeze %dma_wait3A_200 : memref<1x80x128xf32, #tpu.memory_space<vmem>> -> memref<80x128xf32, #tpu.memory_space<vmem>>
    %dma_wait3A_202 = arith.constant 0 : i32
    %dma_wait3A_203 = arith.constant 0 : i32
    %dma_wait3A_204 = tpu.memref_slice %arg3[%dma_wait3A_202, %dma_wait3A_203] : memref<320000x128xf32, #tpu.memory_space<hbm>> -> memref<80x128xf32, #tpu.memory_space<hbm>>
    %dma_wait3A_205 = tpu.memref_slice %arg10[%dma_wait3A_197] : memref<3x!tpu.dma_semaphore, #tpu.memory_space<semaphore_mem>> -> memref<1x!tpu.dma_semaphore, #tpu.memory_space<semaphore_mem>>
    %dma_wait3A_206 = tpu.memref_squeeze %dma_wait3A_205 : memref<1x!tpu.dma_semaphore, #tpu.memory_space<semaphore_mem>> -> memref<!tpu.dma_semaphore, #tpu.memory_space<semaphore_mem>>
    %dma_wait3A_207 = arith.constant 0 : i32
    %dma_wait3A_208 = arith.constant 0 : i32
    %dma_wait3A_209 = tpu.memref_slice %arg6[%dma_wait3A_196, %dma_wait3A_207, %dma_wait3A_208] : memref<3x80x128xf32, #tpu.memory_space<vmem>> -> memref<1x80x128xf32, #tpu.memory_space<vmem>>
    %dma_wait3A_210 = tpu.memref_squeeze %dma_wait3A_209 : memref<1x80x128xf32, #tpu.memory_space<vmem>> -> memref<80x128xf32, #tpu.memory_space<vmem>>
    %dma_wait3A_211 = arith.constant 0 : i32
    %dma_wait3A_212 = arith.constant 0 : i32
    %dma_wait3A_213 = tpu.memref_slice %arg3[%dma_wait3A_211, %dma_wait3A_212] : memref<320000x128xf32, #tpu.memory_space<hbm>> -> memref<80x128xf32, #tpu.memory_space<hbm>>
    tpu.wait_dma2 semaphore(%dma_wait3A_206 : memref<!tpu.dma_semaphore, #tpu.memory_space<semaphore_mem>>) src(%dma_wait3A_213 : memref<80x128xf32, #tpu.memory_space<hbm>>) dst(%dma_wait3A_210 : memref<80x128xf32, #tpu.memory_space<vmem>>)
    %dma_start3A_214 = arith.constant 1 : i32
    %dma_start3A_215 = arith.constant 1 : i32
    %dma_start3A_216 = arith.constant 1 : i32
    %dma_start3A_217 = arith.constant 0 : i32
    %dma_start3A_218 = arith.constant 0 : i32
    %dma_start3A_219 = tpu.memref_slice %arg6[%dma_start3A_214, %dma_start3A_217, %dma_start3A_218] : memref<3x80x128xf32, #tpu.memory_space<vmem>> -> memref<1x80x128xf32, #tpu.memory_space<vmem>>
    %dma_start3A_220 = tpu.memref_squeeze %dma_start3A_219 : memref<1x80x128xf32, #tpu.memory_space<vmem>> -> memref<80x128xf32, #tpu.memory_space<vmem>>
    %dma_start3A_221 = arith.constant 0 : i32
    %dma_start3A_222 = tpu.memref_slice %arg5[%dma_start3A_215, %dma_start3A_221] : memref<3x80xi32, #tpu.memory_space<vmem>> -> memref<1x80xi32, #tpu.memory_space<vmem>>
    %dma_start3A_223 = tpu.memref_squeeze %dma_start3A_222 : memref<1x80xi32, #tpu.memory_space<vmem>> -> memref<80xi32, #tpu.memory_space<vmem>>
    %dma_start3A_224 = arith.constant 0 : i32
    %dma_start3A_225 = arith.constant 0 : i32
    %dma_start3A_226 = tpu.memref_slice %arg8[%dma_start3A_224, %dma_start3A_225] : memref<10000x128xf32, #tpu.memory_space<vmem_shared>> -> memref<10000x128xf32, #tpu.memory_space<vmem_shared>>
    %dma_start3A_227 = tpu.memref_slice %arg11[%dma_start3A_216] : memref<3x!tpu.dma_semaphore, #tpu.memory_space<semaphore_mem>> -> memref<1x!tpu.dma_semaphore, #tpu.memory_space<semaphore_mem>>
    %dma_start3A_228 = tpu.memref_squeeze %dma_start3A_227 : memref<1x!tpu.dma_semaphore, #tpu.memory_space<semaphore_mem>> -> memref<!tpu.dma_semaphore, #tpu.memory_space<semaphore_mem>>
    tpu.enqueue_indirect_dma source(%dma_start3A_220 : memref<80x128xf32, #tpu.memory_space<vmem>>) target(%dma_start3A_226 : memref<10000x128xf32, #tpu.memory_space<vmem_shared>>) offsets(%dma_start3A_223 : memref<80xi32, #tpu.memory_space<vmem>>) semaphore(%dma_start3A_228 : memref<!tpu.dma_semaphore, #tpu.memory_space<semaphore_mem>>) {add = true}
    %dma_wait3A_229 = arith.constant 0 : i32
    %dma_wait3A_230 = arith.constant 0 : i32
    %dma_wait3A_231 = arith.constant 0 : i32
    %dma_wait3A_232 = arith.constant 0 : i32
    %dma_wait3A_233 = arith.constant 0 : i32
    %dma_wait3A_234 = tpu.memref_slice %arg6[%dma_wait3A_229, %dma_wait3A_232, %dma_wait3A_233] : memref<3x80x128xf32, #tpu.memory_space<vmem>> -> memref<1x80x128xf32, #tpu.memory_space<vmem>>
    %dma_wait3A_235 = tpu.memref_squeeze %dma_wait3A_234 : memref<1x80x128xf32, #tpu.memory_space<vmem>> -> memref<80x128xf32, #tpu.memory_space<vmem>>
    %dma_wait3A_236 = arith.constant 0 : i32
    %dma_wait3A_237 = tpu.memref_slice %arg5[%dma_wait3A_230, %dma_wait3A_236] : memref<3x80xi32, #tpu.memory_space<vmem>> -> memref<1x80xi32, #tpu.memory_space<vmem>>
    %dma_wait3A_238 = tpu.memref_squeeze %dma_wait3A_237 : memref<1x80xi32, #tpu.memory_space<vmem>> -> memref<80xi32, #tpu.memory_space<vmem>>
    %dma_wait3A_239 = arith.constant 0 : i32
    %dma_wait3A_240 = arith.constant 0 : i32
    %dma_wait3A_241 = tpu.memref_slice %arg8[%dma_wait3A_239, %dma_wait3A_240] : memref<10000x128xf32, #tpu.memory_space<vmem_shared>> -> memref<10000x128xf32, #tpu.memory_space<vmem_shared>>
    %dma_wait3A_242 = tpu.memref_slice %arg11[%dma_wait3A_231] : memref<3x!tpu.dma_semaphore, #tpu.memory_space<semaphore_mem>> -> memref<1x!tpu.dma_semaphore, #tpu.memory_space<semaphore_mem>>
    %dma_wait3A_243 = tpu.memref_squeeze %dma_wait3A_242 : memref<1x!tpu.dma_semaphore, #tpu.memory_space<semaphore_mem>> -> memref<!tpu.dma_semaphore, #tpu.memory_space<semaphore_mem>>
    tpu.wait_indirect_dma semaphore(%dma_wait3A_243 : memref<!tpu.dma_semaphore, #tpu.memory_space<semaphore_mem>>) src(%dma_wait3A_235 : memref<80x128xf32, #tpu.memory_space<vmem>>) dst(%dma_wait3A_241 : memref<10000x128xf32, #tpu.memory_space<vmem_shared>>)
    %dma_wait3A_244 = arith.constant 1 : i32
    %dma_wait3A_245 = arith.constant 1 : i32
    %dma_wait3A_246 = arith.constant 1 : i32
    %dma_wait3A_247 = arith.constant 0 : i32
    %dma_wait3A_248 = arith.constant 0 : i32
    %dma_wait3A_249 = tpu.memref_slice %arg6[%dma_wait3A_244, %dma_wait3A_247, %dma_wait3A_248] : memref<3x80x128xf32, #tpu.memory_space<vmem>> -> memref<1x80x128xf32, #tpu.memory_space<vmem>>
    %dma_wait3A_250 = tpu.memref_squeeze %dma_wait3A_249 : memref<1x80x128xf32, #tpu.memory_space<vmem>> -> memref<80x128xf32, #tpu.memory_space<vmem>>
    %dma_wait3A_251 = arith.constant 0 : i32
    %dma_wait3A_252 = tpu.memref_slice %arg5[%dma_wait3A_245, %dma_wait3A_251] : memref<3x80xi32, #tpu.memory_space<vmem>> -> memref<1x80xi32, #tpu.memory_space<vmem>>
    %dma_wait3A_253 = tpu.memref_squeeze %dma_wait3A_252 : memref<1x80xi32, #tpu.memory_space<vmem>> -> memref<80xi32, #tpu.memory_space<vmem>>
    %dma_wait3A_254 = arith.constant 0 : i32
    %dma_wait3A_255 = arith.constant 0 : i32
    %dma_wait3A_256 = tpu.memref_slice %arg8[%dma_wait3A_254, %dma_wait3A_255] : memref<10000x128xf32, #tpu.memory_space<vmem_shared>> -> memref<10000x128xf32, #tpu.memory_space<vmem_shared>>
    %dma_wait3A_257 = tpu.memref_slice %arg11[%dma_wait3A_246] : memref<3x!tpu.dma_semaphore, #tpu.memory_space<semaphore_mem>> -> memref<1x!tpu.dma_semaphore, #tpu.memory_space<semaphore_mem>>
    %dma_wait3A_258 = tpu.memref_squeeze %dma_wait3A_257 : memref<1x!tpu.dma_semaphore, #tpu.memory_space<semaphore_mem>> -> memref<!tpu.dma_semaphore, #tpu.memory_space<semaphore_mem>>
    tpu.wait_indirect_dma semaphore(%dma_wait3A_258 : memref<!tpu.dma_semaphore, #tpu.memory_space<semaphore_mem>>) src(%dma_wait3A_250 : memref<80x128xf32, #tpu.memory_space<vmem>>) dst(%dma_wait3A_256 : memref<10000x128xf32, #tpu.memory_space<vmem_shared>>)
    %barrier3A_259 = arith.constant 0 : index
    tpu.barrier barrier_id(%barrier3A_259)
    %mul3A_260 = arith.constant 624 : i32
    %mul3A_261 = arith.muli %arg1, %mul3A_260 : i32
    %mul3A_262 = arith.constant 624 : i32
    %mul3A_263 = arith.muli %arg1, %mul3A_262 : i32
    "tpu.region"() ({
      %run_scoped3A = tpu.sem_alloc : memref<!tpu.dma_semaphore, #tpu.memory_space<semaphore_mem>>
      %dma_start3A_269 = arith.constant 0 : i32
      %dma_start3A_270 = tpu.memref_slice %arg4[%arg0, %mul3A_263, %dma_start3A_269] : memref<2x10000x128xf32, #tpu.memory_space<hbm>> -> memref<1x624x128xf32, #tpu.memory_space<hbm>>
      %dma_start3A_271 = tpu.memref_squeeze %dma_start3A_270 : memref<1x624x128xf32, #tpu.memory_space<hbm>> -> memref<624x128xf32, #tpu.memory_space<hbm>>
      %dma_start3A_272 = arith.constant 0 : i32
      %dma_start3A_273 = tpu.memref_slice %arg8[%mul3A_261, %dma_start3A_272] : memref<10000x128xf32, #tpu.memory_space<vmem_shared>> -> memref<624x128xf32, #tpu.memory_space<vmem_shared>>
      tpu.enqueue_dma source(%dma_start3A_273 : memref<624x128xf32, #tpu.memory_space<vmem_shared>>) target(%dma_start3A_271 : memref<624x128xf32, #tpu.memory_space<hbm>>) target_semaphore(%run_scoped3A : memref<!tpu.dma_semaphore, #tpu.memory_space<semaphore_mem>>)
      %dma_wait3A_274 = arith.constant 0 : i32
      %dma_wait3A_275 = tpu.memref_slice %arg4[%arg0, %mul3A_263, %dma_wait3A_274] : memref<2x10000x128xf32, #tpu.memory_space<hbm>> -> memref<1x624x128xf32, #tpu.memory_space<hbm>>
      %dma_wait3A_276 = tpu.memref_squeeze %dma_wait3A_275 : memref<1x624x128xf32, #tpu.memory_space<hbm>> -> memref<624x128xf32, #tpu.memory_space<hbm>>
      %dma_wait3A_277 = arith.constant 0 : i32
      %dma_wait3A_278 = tpu.memref_slice %arg8[%mul3A_261, %dma_wait3A_277] : memref<10000x128xf32, #tpu.memory_space<vmem_shared>> -> memref<624x128xf32, #tpu.memory_space<vmem_shared>>
      tpu.wait_dma2 semaphore(%run_scoped3A : memref<!tpu.dma_semaphore, #tpu.memory_space<semaphore_mem>>) src(%dma_wait3A_278 : memref<624x128xf32, #tpu.memory_space<vmem_shared>>) dst(%dma_wait3A_276 : memref<624x128xf32, #tpu.memory_space<hbm>>)
      tpu.yield
    }) : () -> ()
    %eq3A_264 = arith.constant 15 : i32
    %eq3A_265 = arith.cmpi eq, %arg1, %eq3A_264 : i32
    %convert_element_type3A_266 = arith.extui %eq3A_265 : i1 to i32
    %cond3A_267 = arith.constant 0 : i32
    %cond3A_268 = arith.cmpi ne, %convert_element_type3A_266, %cond3A_267 : i32
    scf.if %cond3A_268 {
      "tpu.region"() ({
        %run_scoped3A = tpu.sem_alloc : memref<!tpu.dma_semaphore, #tpu.memory_space<semaphore_mem>>
        %dma_start3A_269 = arith.constant 9984 : i32
        %dma_start3A_270 = arith.constant 0 : i32
        %dma_start3A_271 = tpu.memref_slice %arg4[%arg0, %dma_start3A_269, %dma_start3A_270] : memref<2x10000x128xf32, #tpu.memory_space<hbm>> -> memref<1x16x128xf32, #tpu.memory_space<hbm>>
        %dma_start3A_272 = tpu.memref_squeeze %dma_start3A_271 : memref<1x16x128xf32, #tpu.memory_space<hbm>> -> memref<16x128xf32, #tpu.memory_space<hbm>>
        %dma_start3A_273 = arith.constant 9984 : i32
        %dma_start3A_274 = arith.constant 0 : i32
        %dma_start3A_275 = tpu.memref_slice %arg8[%dma_start3A_273, %dma_start3A_274] : memref<10000x128xf32, #tpu.memory_space<vmem_shared>> -> memref<16x128xf32, #tpu.memory_space<vmem_shared>>
        tpu.enqueue_dma source(%dma_start3A_275 : memref<16x128xf32, #tpu.memory_space<vmem_shared>>) target(%dma_start3A_272 : memref<16x128xf32, #tpu.memory_space<hbm>>) target_semaphore(%run_scoped3A : memref<!tpu.dma_semaphore, #tpu.memory_space<semaphore_mem>>)
        %dma_wait3A_276 = arith.constant 9984 : i32
        %dma_wait3A_277 = arith.constant 0 : i32
        %dma_wait3A_278 = tpu.memref_slice %arg4[%arg0, %dma_wait3A_276, %dma_wait3A_277] : memref<2x10000x128xf32, #tpu.memory_space<hbm>> -> memref<1x16x128xf32, #tpu.memory_space<hbm>>
        %dma_wait3A_279 = tpu.memref_squeeze %dma_wait3A_278 : memref<1x16x128xf32, #tpu.memory_space<hbm>> -> memref<16x128xf32, #tpu.memory_space<hbm>>
        %dma_wait3A_280 = arith.constant 9984 : i32
        %dma_wait3A_281 = arith.constant 0 : i32
        %dma_wait3A_282 = tpu.memref_slice %arg8[%dma_wait3A_280, %dma_wait3A_281] : memref<10000x128xf32, #tpu.memory_space<vmem_shared>> -> memref<16x128xf32, #tpu.memory_space<vmem_shared>>
        tpu.wait_dma2 semaphore(%run_scoped3A : memref<!tpu.dma_semaphore, #tpu.memory_space<semaphore_mem>>) src(%dma_wait3A_282 : memref<16x128xf32, #tpu.memory_space<vmem_shared>>) dst(%dma_wait3A_279 : memref<16x128xf32, #tpu.memory_space<hbm>>)
        tpu.yield
      }) : () -> ()
    } else {
    }
    return
  }
}

module attributes {stable_mosaic.version = 14 : i64} {
  func.func @_mlp_body(%arg0: i32, %arg1: memref<2000x128xf32, #tpu.memory_space<vmem>>, %arg2: memref<2x2000x128xf32, #tpu.memory_space<vmem>>, %arg3: memref<256x128xf32, #tpu.memory_space<vmem>>, %arg4: memref<1x128xf32, #tpu.memory_space<vmem>>, %arg5: memref<1x128xf32, #tpu.memory_space<vmem>>, %arg6: memref<1x128xf32, #tpu.memory_space<vmem>>, %arg7: memref<128x128xf32, #tpu.memory_space<vmem>>, %arg8: memref<1x128xf32, #tpu.memory_space<vmem>>, %arg9: memref<1x128xf32, #tpu.memory_space<vmem>>, %arg10: memref<1x128xf32, #tpu.memory_space<vmem>>, %arg11: memref<128x128xf32, #tpu.memory_space<vmem>>, %arg12: memref<1x128xf32, #tpu.memory_space<vmem>>, %arg13: memref<1x128xf32, #tpu.memory_space<vmem>>, %arg14: memref<1x128xf32, #tpu.memory_space<vmem>>, %arg15: memref<2000x128xf32, #tpu.memory_space<vmem>>) attributes {dimension_semantics = [#tpu.dimension_semantics<arbitrary>], iteration_bounds = array<i64: 5>, scalar_prefetch = 0 : i64, scratch_operands = 0 : i64, tpu.core_type = #tpu.core_type<tc>, window_params = [{transform_indices = @transform_0, window_bounds = array<i64: 2000, 128>}, {transform_indices = @transform_1, window_bounds = array<i64: 2, 2000, 128>}, {pipeline_mode = #tpu.pipeline_mode<synchronous>, transform_indices = @transform_2, window_bounds = array<i64: 256, 128>}, {pipeline_mode = #tpu.pipeline_mode<synchronous>, transform_indices = @transform_3, window_bounds = array<i64: 1, 128>}, {pipeline_mode = #tpu.pipeline_mode<synchronous>, transform_indices = @transform_4, window_bounds = array<i64: 1, 128>}, {pipeline_mode = #tpu.pipeline_mode<synchronous>, transform_indices = @transform_5, window_bounds = array<i64: 1, 128>}, {pipeline_mode = #tpu.pipeline_mode<synchronous>, transform_indices = @transform_6, window_bounds = array<i64: 128, 128>}, {pipeline_mode = #tpu.pipeline_mode<synchronous>, transform_indices = @transform_7, window_bounds = array<i64: 1, 128>}, {pipeline_mode = #tpu.pipeline_mode<synchronous>, transform_indices = @transform_8, window_bounds = array<i64: 1, 128>}, {pipeline_mode = #tpu.pipeline_mode<synchronous>, transform_indices = @transform_9, window_bounds = array<i64: 1, 128>}, {pipeline_mode = #tpu.pipeline_mode<synchronous>, transform_indices = @transform_10, window_bounds = array<i64: 128, 128>}, {pipeline_mode = #tpu.pipeline_mode<synchronous>, transform_indices = @transform_11, window_bounds = array<i64: 1, 128>}, {pipeline_mode = #tpu.pipeline_mode<synchronous>, transform_indices = @transform_12, window_bounds = array<i64: 1, 128>}, {pipeline_mode = #tpu.pipeline_mode<synchronous>, transform_indices = @transform_13, window_bounds = array<i64: 1, 128>}, {transform_indices = @transform_14, window_bounds = array<i64: 2000, 128>}]} {
    %get3A = arith.constant 0 : index
    %get3A_0 = arith.constant 0 : index
    %get3A_1 = arith.constant 0 : index
    %get3A_2 = vector.load %arg2[%get3A, %get3A_0, %get3A_1] : memref<2x2000x128xf32, #tpu.memory_space<vmem>>, vector<1x2000x128xf32>
    %get3A_3 = vector.shape_cast %get3A_2 : vector<1x2000x128xf32> to vector<2000x128xf32>
    %get3A_4 = arith.constant 1 : index
    %get3A_5 = arith.constant 0 : index
    %get3A_6 = arith.constant 0 : index
    %get3A_7 = vector.load %arg2[%get3A_4, %get3A_5, %get3A_6] : memref<2x2000x128xf32, #tpu.memory_space<vmem>>, vector<1x2000x128xf32>
    %get3A_8 = vector.shape_cast %get3A_7 : vector<1x2000x128xf32> to vector<2000x128xf32>
    %add3A = arith.addf %get3A_3, %get3A_8 : vector<2000x128xf32>
    %get3A_9 = arith.constant 0 : index
    %get3A_10 = arith.constant 0 : index
    %get3A_11 = vector.load %arg1[%get3A_9, %get3A_10] : memref<2000x128xf32, #tpu.memory_space<vmem>>, vector<2000x128xf32>
    %concatenate3A = tpu.concatenate %get3A_11, %add3A in 1 : vector<2000x128xf32>, vector<2000x128xf32> -> vector<2000x256xf32>
    %get3A_12 = arith.constant 0 : index
    %get3A_13 = arith.constant 0 : index
    %get3A_14 = vector.load %arg3[%get3A_12, %get3A_13] : memref<256x128xf32, #tpu.memory_space<vmem>>, vector<256x128xf32>
    %dot_general3A = arith.constant dense<0.000000e+00> : vector<2000x128xf32>
    %dot_general3A_15 = tpu.matmul %concatenate3A, %get3A_14, %dot_general3A {dimension_numbers = #tpu.dot_dimension_numbers<[1], [0], [0], [1], [0, 0, 1, 1], [], []>, transpose_lhs_hint = false} : vector<2000x256xf32>, vector<256x128xf32>, vector<2000x128xf32> -> vector<2000x128xf32>
    %get3A_16 = arith.constant 0 : index
    %get3A_17 = arith.constant 0 : index
    %get3A_18 = vector.load %arg4[%get3A_16, %get3A_17] : memref<1x128xf32, #tpu.memory_space<vmem>>, vector<1x128xf32>
    %add3A_19 = vector.broadcast %get3A_18 : vector<1x128xf32> to vector<2000x128xf32>
    %add3A_20 = arith.addf %dot_general3A_15, %add3A_19 : vector<2000x128xf32>
    %get3A_21 = arith.constant 0 : index
    %get3A_22 = arith.constant 0 : index
    %get3A_23 = vector.load %arg5[%get3A_21, %get3A_22] : memref<1x128xf32, #tpu.memory_space<vmem>>, vector<1x128xf32>
    %get3A_24 = arith.constant 0 : index
    %get3A_25 = arith.constant 0 : index
    %get3A_26 = vector.load %arg6[%get3A_24, %get3A_25] : memref<1x128xf32, #tpu.memory_space<vmem>>, vector<1x128xf32>
    %reduce_sum3A = arith.constant dense<0.000000e+00> : vector<2000xf32>
    %reduce_sum3A_27 = vector.multi_reduction <add>, %add3A_20, %reduce_sum3A [1] : vector<2000x128xf32> to vector<2000xf32>
    %broadcast_in_dim3A = vector.shape_cast %reduce_sum3A_27 : vector<2000xf32> to vector<2000x1xf32>
    %div3A = arith.constant 1.280000e+02 : f32
    %div3A_28 = vector.broadcast %div3A : f32 to vector<2000x1xf32>
    %div3A_29 = arith.divf %broadcast_in_dim3A, %div3A_28 : vector<2000x1xf32>
    %sub3A = vector.broadcast %div3A_29 : vector<2000x1xf32> to vector<2000x128xf32>
    %sub3A_30 = arith.subf %add3A_20, %sub3A : vector<2000x128xf32>
    %mul3A = arith.mulf %sub3A_30, %sub3A_30 : vector<2000x128xf32>
    %reduce_sum3A_31 = arith.constant dense<0.000000e+00> : vector<2000xf32>
    %reduce_sum3A_32 = vector.multi_reduction <add>, %mul3A, %reduce_sum3A_31 [1] : vector<2000x128xf32> to vector<2000xf32>
    %broadcast_in_dim3A_33 = vector.shape_cast %reduce_sum3A_32 : vector<2000xf32> to vector<2000x1xf32>
    %div3A_34 = arith.constant 1.280000e+02 : f32
    %div3A_35 = vector.broadcast %div3A_34 : f32 to vector<2000x1xf32>
    %div3A_36 = arith.divf %broadcast_in_dim3A_33, %div3A_35 : vector<2000x1xf32>
    %add3A_37 = arith.constant 9.99999974E-6 : f32
    %add3A_38 = vector.broadcast %add3A_37 : f32 to vector<2000x1xf32>
    %add3A_39 = arith.addf %div3A_36, %add3A_38 : vector<2000x1xf32>
    %rsqrt3A = math.rsqrt %add3A_39 : vector<2000x1xf32>
    %mul3A_40 = vector.broadcast %rsqrt3A : vector<2000x1xf32> to vector<2000x128xf32>
    %mul3A_41 = arith.mulf %sub3A_30, %mul3A_40 : vector<2000x128xf32>
    %mul3A_42 = vector.broadcast %get3A_23 : vector<1x128xf32> to vector<2000x128xf32>
    %mul3A_43 = arith.mulf %mul3A_41, %mul3A_42 : vector<2000x128xf32>
    %add3A_44 = vector.broadcast %get3A_26 : vector<1x128xf32> to vector<2000x128xf32>
    %add3A_45 = arith.addf %mul3A_43, %add3A_44 : vector<2000x128xf32>
    %max3A = arith.constant 0.000000e+00 : f32
    %max3A_46 = vector.broadcast %max3A : f32 to vector<2000x128xf32>
    %max3A_47 = arith.maximumf %add3A_45, %max3A_46 : vector<2000x128xf32>
    %abs3A = math.absf %add3A_45 : vector<2000x128xf32>
    %neg3A = arith.constant 0.000000e+00 : f32
    %neg3A_48 = vector.broadcast %neg3A : f32 to vector<2000x128xf32>
    %neg3A_49 = arith.subf %neg3A_48, %abs3A : vector<2000x128xf32>
    %exp3A = math.exp %neg3A_49 : vector<2000x128xf32>
    %log1p3A = math.log1p %exp3A : vector<2000x128xf32>
    %add3A_50 = arith.addf %max3A_47, %log1p3A : vector<2000x128xf32>
    %sub3A_51 = arith.constant 0.693147182 : f32
    %sub3A_52 = vector.broadcast %sub3A_51 : f32 to vector<2000x128xf32>
    %sub3A_53 = arith.subf %add3A_50, %sub3A_52 : vector<2000x128xf32>
    %get3A_54 = arith.constant 0 : index
    %get3A_55 = arith.constant 0 : index
    %get3A_56 = vector.load %arg7[%get3A_54, %get3A_55] : memref<128x128xf32, #tpu.memory_space<vmem>>, vector<128x128xf32>
    %dot_general3A_57 = arith.constant dense<0.000000e+00> : vector<2000x128xf32>
    %dot_general3A_58 = tpu.matmul %sub3A_53, %get3A_56, %dot_general3A_57 {dimension_numbers = #tpu.dot_dimension_numbers<[1], [0], [0], [1], [0, 0, 1, 1], [], []>, transpose_lhs_hint = false} : vector<2000x128xf32>, vector<128x128xf32>, vector<2000x128xf32> -> vector<2000x128xf32>
    %get3A_59 = arith.constant 0 : index
    %get3A_60 = arith.constant 0 : index
    %get3A_61 = vector.load %arg8[%get3A_59, %get3A_60] : memref<1x128xf32, #tpu.memory_space<vmem>>, vector<1x128xf32>
    %add3A_62 = vector.broadcast %get3A_61 : vector<1x128xf32> to vector<2000x128xf32>
    %add3A_63 = arith.addf %dot_general3A_58, %add3A_62 : vector<2000x128xf32>
    %get3A_64 = arith.constant 0 : index
    %get3A_65 = arith.constant 0 : index
    %get3A_66 = vector.load %arg9[%get3A_64, %get3A_65] : memref<1x128xf32, #tpu.memory_space<vmem>>, vector<1x128xf32>
    %get3A_67 = arith.constant 0 : index
    %get3A_68 = arith.constant 0 : index
    %get3A_69 = vector.load %arg10[%get3A_67, %get3A_68] : memref<1x128xf32, #tpu.memory_space<vmem>>, vector<1x128xf32>
    %reduce_sum3A_70 = arith.constant dense<0.000000e+00> : vector<2000xf32>
    %reduce_sum3A_71 = vector.multi_reduction <add>, %add3A_63, %reduce_sum3A_70 [1] : vector<2000x128xf32> to vector<2000xf32>
    %broadcast_in_dim3A_72 = vector.shape_cast %reduce_sum3A_71 : vector<2000xf32> to vector<2000x1xf32>
    %div3A_73 = arith.constant 1.280000e+02 : f32
    %div3A_74 = vector.broadcast %div3A_73 : f32 to vector<2000x1xf32>
    %div3A_75 = arith.divf %broadcast_in_dim3A_72, %div3A_74 : vector<2000x1xf32>
    %sub3A_76 = vector.broadcast %div3A_75 : vector<2000x1xf32> to vector<2000x128xf32>
    %sub3A_77 = arith.subf %add3A_63, %sub3A_76 : vector<2000x128xf32>
    %mul3A_78 = arith.mulf %sub3A_77, %sub3A_77 : vector<2000x128xf32>
    %reduce_sum3A_79 = arith.constant dense<0.000000e+00> : vector<2000xf32>
    %reduce_sum3A_80 = vector.multi_reduction <add>, %mul3A_78, %reduce_sum3A_79 [1] : vector<2000x128xf32> to vector<2000xf32>
    %broadcast_in_dim3A_81 = vector.shape_cast %reduce_sum3A_80 : vector<2000xf32> to vector<2000x1xf32>
    %div3A_82 = arith.constant 1.280000e+02 : f32
    %div3A_83 = vector.broadcast %div3A_82 : f32 to vector<2000x1xf32>
    %div3A_84 = arith.divf %broadcast_in_dim3A_81, %div3A_83 : vector<2000x1xf32>
    %add3A_85 = arith.constant 9.99999974E-6 : f32
    %add3A_86 = vector.broadcast %add3A_85 : f32 to vector<2000x1xf32>
    %add3A_87 = arith.addf %div3A_84, %add3A_86 : vector<2000x1xf32>
    %rsqrt3A_88 = math.rsqrt %add3A_87 : vector<2000x1xf32>
    %mul3A_89 = vector.broadcast %rsqrt3A_88 : vector<2000x1xf32> to vector<2000x128xf32>
    %mul3A_90 = arith.mulf %sub3A_77, %mul3A_89 : vector<2000x128xf32>
    %mul3A_91 = vector.broadcast %get3A_66 : vector<1x128xf32> to vector<2000x128xf32>
    %mul3A_92 = arith.mulf %mul3A_90, %mul3A_91 : vector<2000x128xf32>
    %add3A_93 = vector.broadcast %get3A_69 : vector<1x128xf32> to vector<2000x128xf32>
    %add3A_94 = arith.addf %mul3A_92, %add3A_93 : vector<2000x128xf32>
    %max3A_95 = arith.constant 0.000000e+00 : f32
    %max3A_96 = vector.broadcast %max3A_95 : f32 to vector<2000x128xf32>
    %max3A_97 = arith.maximumf %add3A_94, %max3A_96 : vector<2000x128xf32>
    %abs3A_98 = math.absf %add3A_94 : vector<2000x128xf32>
    %neg3A_99 = arith.constant 0.000000e+00 : f32
    %neg3A_100 = vector.broadcast %neg3A_99 : f32 to vector<2000x128xf32>
    %neg3A_101 = arith.subf %neg3A_100, %abs3A_98 : vector<2000x128xf32>
    %exp3A_102 = math.exp %neg3A_101 : vector<2000x128xf32>
    %log1p3A_103 = math.log1p %exp3A_102 : vector<2000x128xf32>
    %add3A_104 = arith.addf %max3A_97, %log1p3A_103 : vector<2000x128xf32>
    %sub3A_105 = arith.constant 0.693147182 : f32
    %sub3A_106 = vector.broadcast %sub3A_105 : f32 to vector<2000x128xf32>
    %sub3A_107 = arith.subf %add3A_104, %sub3A_106 : vector<2000x128xf32>
    %get3A_108 = arith.constant 0 : index
    %get3A_109 = arith.constant 0 : index
    %get3A_110 = vector.load %arg11[%get3A_108, %get3A_109] : memref<128x128xf32, #tpu.memory_space<vmem>>, vector<128x128xf32>
    %dot_general3A_111 = arith.constant dense<0.000000e+00> : vector<2000x128xf32>
    %dot_general3A_112 = tpu.matmul %sub3A_107, %get3A_110, %dot_general3A_111 {dimension_numbers = #tpu.dot_dimension_numbers<[1], [0], [0], [1], [0, 0, 1, 1], [], []>, transpose_lhs_hint = false} : vector<2000x128xf32>, vector<128x128xf32>, vector<2000x128xf32> -> vector<2000x128xf32>
    %get3A_113 = arith.constant 0 : index
    %get3A_114 = arith.constant 0 : index
    %get3A_115 = vector.load %arg12[%get3A_113, %get3A_114] : memref<1x128xf32, #tpu.memory_space<vmem>>, vector<1x128xf32>
    %add3A_116 = vector.broadcast %get3A_115 : vector<1x128xf32> to vector<2000x128xf32>
    %add3A_117 = arith.addf %dot_general3A_112, %add3A_116 : vector<2000x128xf32>
    %get3A_118 = arith.constant 0 : index
    %get3A_119 = arith.constant 0 : index
    %get3A_120 = vector.load %arg13[%get3A_118, %get3A_119] : memref<1x128xf32, #tpu.memory_space<vmem>>, vector<1x128xf32>
    %get3A_121 = arith.constant 0 : index
    %get3A_122 = arith.constant 0 : index
    %get3A_123 = vector.load %arg14[%get3A_121, %get3A_122] : memref<1x128xf32, #tpu.memory_space<vmem>>, vector<1x128xf32>
    %reduce_sum3A_124 = arith.constant dense<0.000000e+00> : vector<2000xf32>
    %reduce_sum3A_125 = vector.multi_reduction <add>, %add3A_117, %reduce_sum3A_124 [1] : vector<2000x128xf32> to vector<2000xf32>
    %broadcast_in_dim3A_126 = vector.shape_cast %reduce_sum3A_125 : vector<2000xf32> to vector<2000x1xf32>
    %div3A_127 = arith.constant 1.280000e+02 : f32
    %div3A_128 = vector.broadcast %div3A_127 : f32 to vector<2000x1xf32>
    %div3A_129 = arith.divf %broadcast_in_dim3A_126, %div3A_128 : vector<2000x1xf32>
    %sub3A_130 = vector.broadcast %div3A_129 : vector<2000x1xf32> to vector<2000x128xf32>
    %sub3A_131 = arith.subf %add3A_117, %sub3A_130 : vector<2000x128xf32>
    %mul3A_132 = arith.mulf %sub3A_131, %sub3A_131 : vector<2000x128xf32>
    %reduce_sum3A_133 = arith.constant dense<0.000000e+00> : vector<2000xf32>
    %reduce_sum3A_134 = vector.multi_reduction <add>, %mul3A_132, %reduce_sum3A_133 [1] : vector<2000x128xf32> to vector<2000xf32>
    %broadcast_in_dim3A_135 = vector.shape_cast %reduce_sum3A_134 : vector<2000xf32> to vector<2000x1xf32>
    %div3A_136 = arith.constant 1.280000e+02 : f32
    %div3A_137 = vector.broadcast %div3A_136 : f32 to vector<2000x1xf32>
    %div3A_138 = arith.divf %broadcast_in_dim3A_135, %div3A_137 : vector<2000x1xf32>
    %add3A_139 = arith.constant 9.99999974E-6 : f32
    %add3A_140 = vector.broadcast %add3A_139 : f32 to vector<2000x1xf32>
    %add3A_141 = arith.addf %div3A_138, %add3A_140 : vector<2000x1xf32>
    %rsqrt3A_142 = math.rsqrt %add3A_141 : vector<2000x1xf32>
    %mul3A_143 = vector.broadcast %rsqrt3A_142 : vector<2000x1xf32> to vector<2000x128xf32>
    %mul3A_144 = arith.mulf %sub3A_131, %mul3A_143 : vector<2000x128xf32>
    %mul3A_145 = vector.broadcast %get3A_120 : vector<1x128xf32> to vector<2000x128xf32>
    %mul3A_146 = arith.mulf %mul3A_144, %mul3A_145 : vector<2000x128xf32>
    %add3A_147 = vector.broadcast %get3A_123 : vector<1x128xf32> to vector<2000x128xf32>
    %add3A_148 = arith.addf %mul3A_146, %add3A_147 : vector<2000x128xf32>
    %max3A_149 = arith.constant 0.000000e+00 : f32
    %max3A_150 = vector.broadcast %max3A_149 : f32 to vector<2000x128xf32>
    %max3A_151 = arith.maximumf %add3A_148, %max3A_150 : vector<2000x128xf32>
    %abs3A_152 = math.absf %add3A_148 : vector<2000x128xf32>
    %neg3A_153 = arith.constant 0.000000e+00 : f32
    %neg3A_154 = vector.broadcast %neg3A_153 : f32 to vector<2000x128xf32>
    %neg3A_155 = arith.subf %neg3A_154, %abs3A_152 : vector<2000x128xf32>
    %exp3A_156 = math.exp %neg3A_155 : vector<2000x128xf32>
    %log1p3A_157 = math.log1p %exp3A_156 : vector<2000x128xf32>
    %add3A_158 = arith.addf %max3A_151, %log1p3A_157 : vector<2000x128xf32>
    %sub3A_159 = arith.constant 0.693147182 : f32
    %sub3A_160 = vector.broadcast %sub3A_159 : f32 to vector<2000x128xf32>
    %sub3A_161 = arith.subf %add3A_158, %sub3A_160 : vector<2000x128xf32>
    %swap3A = arith.constant 0 : index
    %swap3A_162 = arith.constant 0 : index
    %swap3A_163 = vector.load %arg15[%swap3A, %swap3A_162] : memref<2000x128xf32, #tpu.memory_space<vmem>>, vector<2000x128xf32>
    tpu.vector_store %arg15[%swap3A, %swap3A_162], %sub3A_161 {strides = array<i32>} : memref<2000x128xf32, #tpu.memory_space<vmem>>, vector<2000x128xf32>,
    return
  }
  func.func @transform_0(%arg0: i32) -> (i32, i32) {
    %c0_i32 = arith.constant 0 : i32
    %c0_i32_0 = arith.constant 0 : i32
    return %arg0, %c0_i32 : i32, i32
  }
  func.func @transform_1(%arg0: i32) -> (i32, i32, i32) {
    %c0_i32 = arith.constant 0 : i32
    %c0_i32_0 = arith.constant 0 : i32
    %c0_i32_1 = arith.constant 0 : i32
    return %c0_i32, %arg0, %c0_i32_0 : i32, i32, i32
  }
  func.func @transform_2(%arg0: i32) -> (i32, i32) {
    %c0_i32 = arith.constant 0 : i32
    %c0_i32_0 = arith.constant 0 : i32
    %c0_i32_1 = arith.constant 0 : i32
    return %c0_i32, %c0_i32_0 : i32, i32
  }
  func.func @transform_3(%arg0: i32) -> (i32, i32) {
    %c0_i32 = arith.constant 0 : i32
    %c0_i32_0 = arith.constant 0 : i32
    %c0_i32_1 = arith.constant 0 : i32
    return %c0_i32, %c0_i32_0 : i32, i32
  }
  func.func @transform_4(%arg0: i32) -> (i32, i32) {
    %c0_i32 = arith.constant 0 : i32
    %c0_i32_0 = arith.constant 0 : i32
    %c0_i32_1 = arith.constant 0 : i32
    return %c0_i32, %c0_i32_0 : i32, i32
  }
  func.func @transform_5(%arg0: i32) -> (i32, i32) {
    %c0_i32 = arith.constant 0 : i32
    %c0_i32_0 = arith.constant 0 : i32
    %c0_i32_1 = arith.constant 0 : i32
    return %c0_i32, %c0_i32_0 : i32, i32
  }
  func.func @transform_6(%arg0: i32) -> (i32, i32) {
    %c0_i32 = arith.constant 0 : i32
    %c0_i32_0 = arith.constant 0 : i32
    %c0_i32_1 = arith.constant 0 : i32
    return %c0_i32, %c0_i32_0 : i32, i32
  }
  func.func @transform_7(%arg0: i32) -> (i32, i32) {
    %c0_i32 = arith.constant 0 : i32
    %c0_i32_0 = arith.constant 0 : i32
    %c0_i32_1 = arith.constant 0 : i32
    return %c0_i32, %c0_i32_0 : i32, i32
  }
  func.func @transform_8(%arg0: i32) -> (i32, i32) {
    %c0_i32 = arith.constant 0 : i32
    %c0_i32_0 = arith.constant 0 : i32
    %c0_i32_1 = arith.constant 0 : i32
    return %c0_i32, %c0_i32_0 : i32, i32
  }
  func.func @transform_9(%arg0: i32) -> (i32, i32) {
    %c0_i32 = arith.constant 0 : i32
    %c0_i32_0 = arith.constant 0 : i32
    %c0_i32_1 = arith.constant 0 : i32
    return %c0_i32, %c0_i32_0 : i32, i32
  }
  func.func @transform_10(%arg0: i32) -> (i32, i32) {
    %c0_i32 = arith.constant 0 : i32
    %c0_i32_0 = arith.constant 0 : i32
    %c0_i32_1 = arith.constant 0 : i32
    return %c0_i32, %c0_i32_0 : i32, i32
  }
  func.func @transform_11(%arg0: i32) -> (i32, i32) {
    %c0_i32 = arith.constant 0 : i32
    %c0_i32_0 = arith.constant 0 : i32
    %c0_i32_1 = arith.constant 0 : i32
    return %c0_i32, %c0_i32_0 : i32, i32
  }
  func.func @transform_12(%arg0: i32) -> (i32, i32) {
    %c0_i32 = arith.constant 0 : i32
    %c0_i32_0 = arith.constant 0 : i32
    %c0_i32_1 = arith.constant 0 : i32
    return %c0_i32, %c0_i32_0 : i32, i32
  }
  func.func @transform_13(%arg0: i32) -> (i32, i32) {
    %c0_i32 = arith.constant 0 : i32
    %c0_i32_0 = arith.constant 0 : i32
    %c0_i32_1 = arith.constant 0 : i32
    return %c0_i32, %c0_i32_0 : i32, i32
  }
  func.func @transform_14(%arg0: i32) -> (i32, i32) {
    %c0_i32 = arith.constant 0 : i32
    %c0_i32_0 = arith.constant 0 : i32
    return %arg0, %c0_i32 : i32, i32
  }
}

</mosaic_0001>

<sc_bundles>
// kernel: kernel.4.cloned.1.call-start
scs
__scs_entry_jumppad:
0x0: {  	(pc) =	sbr.rel $0x88, $3  }
0x1: {  	(tag) =	ssettag $0x0;
	lr =	simm.s32 $0x1  }
0x2: {  	[smem:$0x3F92] =	sst lr;
	_ =	strace $0xD0000000  }
0x3: {  	_ = 	snop  }
0x4: {  	_ = 	snop  }
0x5: {  	_ = 	snop  }
0x6: {  	_ = 	snop  }
0x7: {  	_ = 	snop  }
__scs_overlays_trampoline_lowered:
0x8: {  	[smem:$0x3FA1] =	sst s0  }
0x9: {  	[smem:$0x3FA2] =	sst s1  }
0xa: {  	[smem:$0x3FA3] =	sst s2  }
0xb: {  	[smem:$0x3FA4] =	sst s3  }
0xc: {  	[smem:$0x3FA5] =	sst s4  }
0xd: {  	[smem:$0x3FA6] =	sst s5  }
0xe: {  	[smem:$0x3FA7] =	sst s6  }
0xf: {  	[smem:$0x3FA8] =	sst s7  }
0x10: {  	[smem:$0x3FA9] =	sst s8  }
0x11: {  	[smem:$0x3FAA] =	sst s9;
	s0 =	simm.s32 @!p0 $0x0  }
0x12: {  	s1 =	sld [smem:$0x3F90];
	s0 =	simm.s32 @p0 $0x1  }
0x13: {  	[smem:$0x3FAB] =	sst s0;
	s0 =	simm.s32 @!p1 $0x0  }
0x14: {  	s2 =	sld [smem:$0x3F8F];
	s0 =	simm.s32 @p1 $0x1  }
0x15: {  	[smem:$0x3FAC] =	sst s0;
	s0 =	simm.s32 @!p2 $0x0  }
0x16: {  	s3 =	sld [smem:$0x3FDB];
	s0 =	simm.s32 @p2 $0x1  }
0x17: {  	s4 =	simm.s32 $0x1BF5;
	[smem:$0x3FAE] =	sst s0  }
0x18: {  	s0 =	sld [smem:$0x3F91];
	_ =	swait.ge [sflag:s4], $0x0  }
0x19: {  	s7 =	sld [smem:$0x3F92]  }
0x1a: {  	s8 =	sadd.s32 $0xFFFFE003, lr  }
0x1b: {  	s9 =	sadd.s32 $0xFFFFFEF7, lr;
	s5 =	simm.s32 $0xFFFFFFFF;
	p2 =	slt.u32 s8, $0xFFFFF086  }
0x1c: {  	p1 =	slt.u32 s9, $0xF7A;
	s5 =	simm.s32 @!p2 $0x0  }
0x1d: {  	s5 =	simm.s32 @p1 $0x1;
	p0 =	seq.s32 s7, s2  }
0x1e: {  	s7 =	smul.u32 @!p0 $0xF7A, s2;
	p2 =	seq.s32 @!p0 s5, $0x0  }
0x1f: {  	s9 =	smul.u32 $0xF7A, s1;
	s8 =	simm.s32 @!p0 $0x1BF5;
	p2 =	por !p2, p0  }
0x20: {  	[sflag:s8] =	ssyncset.s32 @!p0 $0xFFFFF086;
	s6 =	sadd.s32 @!p0 s3, s7;
	s7 =	simm.s32 @!p0 $0x108  }
0x21: {  	s3 =	sadd.s32 s3, s9;
	s6 =	sadd.s32 @!p0 $0x88, s6;
	s7 =	simm.s32 @p2 $0x1082  }
0x22: {  	[simem:s7], [sflag:s8] =	dma.local @!p0 [hbm:s6], $0xF7A  }
0x23: {  	s9 =	sor.u32 $0xD0000000, s2;
	s6 =	simm.s32 $0x108;
	_ =	swait.ge @!p0 [sflag:s8], $0x0  }
0x24: {  	s3 =	sadd.s32 $0x88, s3;
	s6 =	simm.s32 @!p1 $0x1082;
	[sflag:s4] =	ssyncset.s32 $0xFFFFF086  }
0x25: {  	[simem:s6], [sflag:s4] =	dma.local [hbm:s3], $0xF7A  }
0x26: {  	[smem:$0x3F92] =	sst s1;
	(tag) =	ssettag s2;
	_ =	strace s9  }
0x27: {  	s1 =	sld [smem:$0x3FA2]  }
0x28: {  	s2 =	sld [smem:$0x3FA3]  }
0x29: {  	s4 =	sld [smem:$0x3FA5]  }
0x2a: {  	p0 =	seq.s32 s5, $0x0;
	s5 =	sld [smem:$0x3FA6]  }
0x2b: {  	s6 =	sld [smem:$0x3FA7]  }
0x2c: {  	s7 =	sld [smem:$0x3FA8]  }
0x2d: {  	s3 =	simm.s32 $0x108;
	s8 =	sld [smem:$0x3FA9]  }
0x2e: {  	s3 =	simm.s32 @!p0 $0x1082;
	s9 =	sld [smem:$0x3FAA]  }
0x2f: {  	lr =	sadd.s32 s0, s3;
	s0 =	sld [smem:$0x3FA1]  }
0x30: {  	s3 =	sld [smem:$0x3FA4]  }
0x31: {  	[smem:$0x3FAD] =	sst s10  }
0x32: {  	s10 =	sld [smem:$0x3FAB];
	_ =	sdelay $0x3  }
0x33: {  	p0 =	seq.s32 s10, $0x1;
	s10 =	sld [smem:$0x3FAD];
	_ =	sdelay $0x3  }
0x34: {  	[smem:$0x3FAD] =	sst s10  }
0x35: {  	s10 =	sld [smem:$0x3FAC];
	_ =	sdelay $0x3  }
0x36: {  	p1 =	seq.s32 s10, $0x1;
	s10 =	sld [smem:$0x3FAD];
	_ =	sdelay $0x3  }
0x37: {  	[smem:$0x3FAD] =	sst s10  }
0x38: {  	s10 =	sld [smem:$0x3FAE]  }
0x39: {  	_ = 	snop;
	(pc) =	sbr.ind lr, $3  }
0x3a: {  	_ = 	snop  }
0x3b: {  	_ = 	snop  }
0x3c: {  	p2 =	seq.s32 s10, $0x1;
	s10 =	sld [smem:$0x3FAD]  }
0x3d: {  	_ =	shalt  }
0x3e: {  	_ =	shalt  }
0x3f: {  	_ =	shalt  }
0x40: {  	_ =	shalt  }
0x41: {  	_ =	shalt  }
0x42: {  	_ =	shalt  }
0x43: {  	_ =	shalt  }
0x44: {  	_ =	shalt  }
0x45: {  	_ =	shalt  }
0x46: {  	_ =	shalt  }
0x47: {  	_ =	shalt  }
0x48: {  	_ =	shalt  }
0x49: {  	_ =	shalt  }
0x4a: {  	_ =	shalt  }
0x4b: {  	_ =	shalt  }
0x4c: {  	_ =	shalt  }
0x4d: {  	_ =	shalt  }
0x4e: {  	_ =	shalt  }
0x4f: {  	_ =	shalt  }
0x50: {  	_ =	shalt  }
0x51: {  	_ =	shalt  }
0x52: {  	_ =	shalt  }
0x53: {  	_ =	shalt  }
0x54: {  	_ =	shalt  }
0x55: {  	_ =	shalt  }
0x56: {  	_ =	shalt  }
0x57: {  	_ =	shalt  }
0x58: {  	_ =	shalt  }
0x59: {  	_ =	shalt  }
0x5a: {  	_ =	shalt  }
0x5b: {  	_ =	shalt  }
0x5c: {  	_ =	shalt  }
0x5d: {  	_ =	shalt  }
0x5e: {  	_ =	shalt  }
0x5f: {  	_ =	shalt  }
0x60: {  	_ =	shalt  }
0x61: {  	_ =	shalt  }
0x62: {  	_ =	shalt  }
0x63: {  	_ =	shalt  }
0x64: {  	_ =	shalt  }
0x65: {  	_ =	shalt  }
0x66: {  	_ =	shalt  }
0x67: {  	_ =	shalt  }
0x68: {  	_ =	shalt  }
0x69: {  	_ =	shalt  }
0x6a: {  	_ =	shalt  }
0x6b: {  	_ =	shalt  }
0x6c: {  	_ =	shalt  }
0x6d: {  	_ =	shalt  }
0x6e: {  	_ =	shalt  }
0x6f: {  	_ =	shalt  }
0x70: {  	_ =	shalt  }
0x71: {  	_ =	shalt  }
0x72: {  	_ =	shalt  }
0x73: {  	_ =	shalt  }
0x74: {  	_ =	shalt  }
0x75: {  	_ =	shalt  }
0x76: {  	_ =	shalt  }
0x77: {  	_ =	shalt  }
0x78: {  	_ =	shalt  }
0x79: {  	_ =	shalt  }
0x7a: {  	_ =	shalt  }
0x7b: {  	_ =	shalt  }
0x7c: {  	_ =	shalt  }
0x7d: {  	_ =	shalt  }
0x7e: {  	_ =	shalt  }
0x7f: {  	_ =	shalt  }
0x80: {  	_ =	shalt  }
0x81: {  	_ =	shalt  }
0x82: {  	_ =	shalt  }
0x83: {  	_ =	shalt  }
0x84: {  	_ =	shalt  }
0x85: {  	_ =	shalt  }
0x86: {  	_ =	shalt  }
0x87: {  	_ =	shalt  }
.Lfunc_end0:
.L_simem_size_0:
called_computation_lowered:
.L_overlay_start_0:
0x88: {  	s2 =	sld [smem:$0x3FD9]  }
0x89: {  	s3 =	sld [smem:$0x3FFE];
	_ =	sdelay $0x1  }
0x8a: {  	s1 =	srdreg.scid  }
0x8b: {  	s0 =	sand.u32 $0x1, s1  }
0x8c: {  	s17 =	sshll.u32 s0, $0xA;
	s2 =	sadd.s32 s3, s2  }
0x8d: {  	s2 =	sadd.s32 s2, s17  }
0x8e: {  	[smem:$0x3FB9] =	sst s2  }
0x8f: {  	_ = 	snop  }
0x90: {  	s2 =	sld [smem:$0x3FC7]  }
0x91: {  	s18 =	sld [smem:$0x3FD0];
	(tm) =	ssettm $0x1  }
0x92: {  	s4 =	sld [smem:$0x3FFB];
	_ =	sdelay $0x3  }
0x93: {  	_ =	strace s4  }
0x94: {  	s4 =	sld [smem:$0x3FFC];
	_ =	sdelay $0x3  }
0x95: {  	_ =	strace s4  }
0x96: {  	s4 =	sld [smem:$0x3FFD];
	_ =	sdelay $0x3  }
0x97: {  	_ =	strace s4  }
0x98: {  	_ =	strace $0x8FFFFFFF  }
0x99: {  	s19 =	sld [smem:$0x3FDB];
	_ =	sdelay $0x1  }
0x9a: {  	s5 =	simm.s32 $_scs_section_size  }
0x9b: {  	s6 =	simm.s32 $_size__tile_overlayer_lowered;
	s7 =	simm.s32 $_tile_overlayer_lowered  }
0x9c: {  	s22 =	simm.s32 $0x1BFF;
	s21 =	sshll.u32 s7, $0x1;
	s4 =	sadd.s32 s5, s19  }
0x9d: {  	s8 =	simm.s32 $0x0;
	s20 =	sshll.u32 s6, $0x1;
	s6 =	sadd.s32 s21, s4  }
0x9e: {  	[timem:s8], [sflag:s22] =	dma.local [hbm:s6], s20  }
0x9f: {  	_ =	swait.ge [sflag:s22], s20  }
0xa0: {  	s5 =	ssub.s32 $0x0, s20;
	[sflag:s22] =	ssyncset.done $0x0  }
0xa1: {  	[sflag:s22] =	ssyncadd.s32 s5;
	_ =	sdelay $0x1  }
0xa2: {  	s23 =	simm.s32 $0x1B8B  }
0xa3: {  	_ =	swait.ge [sflag:s23], $0x1  }
0xa4: {  	[sflag:s23] =	ssyncset.done $0x0  }
0xa5: {  	s25 =	simm.s32 $0x1B8E;
	s24 =	sld [smem:$0x3FFE];
	[sflag:s23] =	ssyncadd.s32 $0xFFFFFFFF  }
0xa6: {  	s26 =	simm.s32 $execute0_lowered;
	[smem:$0x3FD2] =	sst s25  }
0xa7: {  	s6 =	sshll.u32 s26, $0x1;
	_ =	strace $0x80000046;
	[dreg:$0x1] =	wrdreg $0xFFFFFFFF  }
0xa8: {  	s28 =	simm.s32 $_size_execute0_lowered;
	s4 =	sadd.s32 s4, s6;
	[dreg:$0x0] =	wrdreg $0x0  }
0xa9: {  	s6 =	sshll.u32 s28, $0x1;
	[dreg:$0x2] =	wrdreg s4  }
0xaa: {  	[dreg:$0x3] =	wrdreg s6  }
0xab: {  	[dreg:$0x4] =	wrdreg $0xC0  }
0xac: {  	_ =	task [dreg:s8], $0x5FFFF  }
0xad: {  	[dreg:$0x1] =	wrdreg $0xFFFFFFFF  }
0xae: {  	[dreg:$0x0] =	wrdreg $0x60  }
0xaf: {  	[dreg:$0x2] =	wrdreg s18  }
0xb0: {  	[dreg:$0x3] =	wrdreg s2  }
0xb1: {  	[dreg:$0x4] =	wrdreg s24  }
0xb2: {  	[dreg:$0x5] =	wrdreg $0xAE000  }
0xb3: {  	[dreg:$0x6] =	wrdreg $0x9  }
0xb4: {  	_ =	task.clear_ibuf [dreg:s8], $0x7FFFF;
	_ =	strace $0x90000046  }
0xb5: {  	s29 =	simm.s32 $0x9;
	_ =	strace $0x80000048  }
0xb6: {  	_ =	swait.ge [sflag:s29], $0x1  }
0xb7: {  	[sflag:s29] =	ssyncadd.s32 $0xFFFFFFFF  }
0xb8: {  	_ =	strace $0x90000048  }
0xb9: {  	_ =	sfence  }
0xba: {  	s30 =	sld [smem:$0x0];
	_ =	sdelay $0x2  }
0xbb: {  	s31 =	sshll.u32 s1, $0xD;
	s1 =	sshrl.u32 s1, $0x2  }
0xbc: {  	s3 =	sand.u32 $0x4000, s31;
	s1 =	sadd.s32 s1, s30  }
0xbd: {  	s0 =	sor.u32 s3, s0;
	s1 =	sshll.u32 s1, $0x11  }
0xbe: {  	s0 =	sor.u32 s1, s0  }
0xbf: {  	s0 =	sadd.s32 $0x8F2B, s0  }
0xc0: {  	[sflag:s0] =	ssyncadd.remote.s32 $0x1  }
0xc1: {  	_ =	sfence.sel $0xFFFF  }
0xc2: {  	[dreg:$0x0] =	wrdreg $0xFFFFFFFF;
	(pc) =	sbr.abs _section_cstart, $3  }
0xc3: {  	[dreg:$0x1] =	wrdreg $0xFFFFFFFF  }
0xc4: {  	_ =	task.clear_ibuf [dreg:s8], $0x2FFFF;
	_ =	strace $0x9FFFFFFF  }
0xc5: {  	(tm) =	ssettm $0x7FFFFFFF  }
tec
execute0_lowered:
.L_overlay_start_1:
0x0: {  	(tag) =	ssettag $0x1  }
0x1: {  	s0 =	rddreg [dreg:$0x0]  }
0x2: {  	s1 =	rddreg [dreg:$0x1]  }
0x3: {  	s4 =	rddreg [dreg:$0x2];
	s15 =	stileid.u32  }
0x4: {  	s3 =	srdreg.scid;
	s16 =	smul.u32 $0x4E000, s15  }
0x5: {  	s2 =	rddreg [dreg:$0x3];
	s28 =	simm.s32 $0x7A00;
	s24 =	smul.u32 $0x13800, s15  }
0x6: {  	s29 =	simm.s32 $0xA;
	s5 =	sand.u32 $0x1, s3;
	s26 =	smul.u32 $0x4E20, s15  }
0x7: {  	s30 =	simm.s32 $0x1;
	s31 =	simm.s32 $0x4;
	s21 =	smul.u32 $0x138800, s5  }
0x8: {  	s6 =	sshll.u32 s15, $0x1;
	s3 =	simm.s32 $0x0;
	s13 =	smul.u32 $0x2710, s5  }
0x9: {  	s6 =	sor.u32 s5, s6;
	s9 =	ssub.s32 $0x2, s5;
	s5 =	smul.u32 $0x27100, s5  }
0xa: {  	s4 =	sadd.s32 $0x2000, s4;
	s14 =	sadd.s32 $0x138000, s2;
	s7 =	smul.u32 $0x2710, s6  }
0xb: {  	p0 =	sne.s32 s15, $0xF;
	[smem:$0x7FF] =	sst s3;
	s8 =	smul.u32 $0x27100, s6  }
0xc: {  	_ =	strace $0x80000047;
	s6 =	smul.u32 $0x138800, s6;
	s10 =	sshrl.u32 s9, $0x1  }
0xd: {  	s9 =	ssub.s32 s9, s10;
	s10 =	sadd.s32 s24, s21;
	s7 =	sshrl.u32 s7, $0x3  }
0xe: {  	s8 =	sadd.s32 s1, s8;
	s6 =	sshrl.u32 s6, $0x3;
	s11 =	sadd.s32 s0, s7  }
0xf: {  	[dreg:$0x6] =	wrdreg s8;
	s7 =	sshrl.u32 s16, $0x2;
	s6 =	sadd.s32 s1, s6  }
0x10: {  	s16 =	sshrl.u32 s21, $0x3;
	s21 =	smul.u32 $0x4E200, s15;
	s17 =	sadd.s32 $0x9C40, s11  }
0x11: {  	s8 =	simm.s32 $0x7;
	s18 =	sadd.s32 $0x9C4A, s11;
	[dreg:$0x5] =	wrdreg s17  }
0x12: {  	s7 =	sadd.s32 s7, s2;
	s19 =	sadd.s32 $0x500, s6;
	[dreg:$0x7] =	wrdreg s18  }
0x13: {  	s11 =	sadd.s32 $0x9C54, s11;
	s6 =	sadd.s32 $0xA00, s6;
	[dreg:$0x8] =	wrdreg s19  }
0x14: {  	s20 =	sadd.s32 $0x3400, s7;
	s22 =	sadd.s32 $0x6800, s7;
	[dreg:$0xe] =	wrdreg s11  }
0x15: {  	s23 =	sadd.s32 $0x9C00, s7;
	s12 =	sadd.s32 $0xD000, s7;
	[dreg:$0xf] =	wrdreg s6  }
0x16: {  	s25 =	sadd.s32 $0x10400, s7;
	s11 =	sshrl.u32 s10, $0x3;
	[dreg:$0x9] =	wrdreg s20  }
0x17: {  	s17 =	sadd.s32 s13, s26;
	s19 =	smax.u32 s9, $0x1;
	[dreg:$0xa] =	wrdreg s22  }
0x18: {  	s1 =	sadd.s32 s21, s1;
	s9 =	simm.s32 $0x3;
	[dreg:$0xb] =	wrdreg s23  }
0x19: {  	s10 =	simm.s32 $0x6;
	s13 =	simm.s32 $0x0;
	[dreg:$0xc] =	wrdreg s12  }
0x1a: {  	[dreg:$0xd] =	wrdreg s25;
	s6 =	sadd.s32 s4, s11;
	s4 =	sadd.s32 s4, s16  }
0x1b: {  	s20 =	sadd.s32 $0x4E390, s17;
	s1 =	sadd.s32 s5, s1;
	s23 =	sadd.s32 $0x4E340, s17  }
0x1c: {  	s24 =	sadd.s32 $0x4E2F0, s17;
	s5 =	simm.s32 $0x2;
	s11 =	simm.s32 $0x8  }
0x1d: {  	s12 =	simm.s32 $0x9;
	[dreg:$0x10] =	wrdreg s6;
	s18 =	sadd.s32 $0x27000, s4  }
.Ltmp0:
0x1e: {  	s22 =	sshrl.u32 s20, $0x3;
	s16 =	sadd.s32 $0x1900, s1;
	(pc) =	sbr.rel .LBB2_1-.Ltmp0, $4  }
0x1f: {  	s25 =	sshrl.u32 s23, $0x3;
	s26 =	sshrl.u32 s24, $0x3;
	s24 =	simm.s32 $0x200  }
0x20: {  	s1 =	simm.s32 $0x50;
	s4 =	simm.s32 $0x5200;
	s6 =	simm.s32 $0x5  }
0x21: {  	s20 =	sadd.s32 s22, s0;
	s22 =	sadd.s32 s25, s0;
	s23 =	sadd.s32 s26, s0  }
0x22: {  	v0 =	vimm.f32 $0.0e+00;
	s25 =	simm.s32 $0x80;
	s26 =	simm.s32 $0x2A00;
	s0 =	simm.s32 $0x100  }
.LBB2_6:
0x23: {  	_ =	swait.ge [sflag:s5], $0x50  }
0x24: {  	[sflag:s5] =	ssyncset.done $0x0  }
0x25: {  	[sflag:s5] =	ssyncadd.s32 $0xFFFFFFB0  }
0x26: {  	_ =	swait.ge [sflag:s6], $0x2800  }
0x27: {  	[sflag:s6] =	ssyncset.done $0x0  }
0x28: {  	[sflag:s6] =	ssyncadd.s32 $0xFFFFD800  }
0x29: {  	[spmem:s2] =	stream.indirect.scatter.add.f32 [tilespmem:s26], [sflag:$0x8], $0x80, s25, s1, $0xb8;
	[tilespmem:$0x1E680] =	vst v63  }
0x2a: {  	_ =	swait.ge [sflag:s8], $0x2800  }
0x2b: {  	[sflag:s8] =	ssyncset.done $0x0  }
0x2c: {  	[sflag:s8] =	ssyncadd.s32 $0xFFFFD800  }
0x2d: {  	_ =	swait.ge [sflag:s11], $0x2800  }
0x2e: {  	[sflag:s11] =	ssyncset.done $0x0  }
0x2f: {  	s15 =	stileid.u32;
	[sflag:s11] =	ssyncadd.s32 $0xFFFFD800  }
0x30: {  	s15 =	sshll.u32 s15, $0x6;
	[bflag:$0x0] =	sbarrier.arrive $0xFFFF  }
0x31: {  	s17 =	sshrl.u32 s7, $0x3;
	s15 =	sor.u32 $0x1C0A, s15;
	s21 =	rddreg [dreg:$0x10]  }
0x32: {  	[hbm:s21], [sflag:s15] =	dma.local [spmem:s17], $0x2700  }
0x33: {  	_ =	swait.ge [sflag:s29], $0x2700  }
0x34: {  	s13 =	sadd.s32 $0x1, s13;
	[sflag:s29] =	ssyncset.done $0x0  }
0x35: {  	p1 =	sne.s32 s13, s19;
	s17 =	sshrl.u32 @!p0 s14, $0x3;
	[sflag:s29] =	ssyncadd.s32 $0xFFFFD900  }
0x36: {  	[hbm:s18], [sflag:s15] =	dma.local @!p0 [spmem:s17], $0x100  }
.Ltmp1:
0x37: {  	_ = 	snop;
	(pc) =	sbr.rel @!p1 .LBB2_7-.Ltmp1, $4  }
0x38: {  	s15 =	simm.s32 @!p0 $0xA  }
0x39: {  	_ =	swait.ge @!p0 [sflag:s15], $0x100  }
0x3a: {  	[sflag:s15] =	ssyncset.done @!p0 $0x0  }
0x3b: {  	[sflag:s15] =	ssyncadd.s32 @!p0 $0xFFFFFF00  }
.LBB2_1:
0x3c: {  	s15 =	rddreg [dreg:$0x5]  }
0x3d: {  	[tilespmem:s3], [sflag:$0x1] =	stream.linear.gather [hbm4b:s15+s3], $0x50, $0x38;
	[tilespmem:$0x1E680] =	vst v63  }
0x3e: {  	s21 =	rddreg [dreg:$0x6]  }
0x3f: {  	[tilespmem:s24], [sflag:$0x4] =	stream.linear.gather [hbm4b:s21+s3], $0x2800, $0x38;
	[tilespmem:$0x1E680] =	vst v63  }
0x40: {  	s17 =	rddreg [dreg:$0x7]  }
0x41: {  	[tilespmem:s25], [sflag:$0x2] =	stream.linear.gather [hbm4b:s17+s3], $0x50, $0x38;
	[tilespmem:$0x1E680] =	vst v63  }
0x42: {  	s21 =	rddreg [dreg:$0x8]  }
0x43: {  	[tilespmem:s26], [sflag:$0x5] =	stream.linear.gather [hbm4b:s21+s3], $0x2800, $0x38;
	[tilespmem:$0x1E680] =	vst v63  }
0x44: {  	s15 =	simm.s32 $0x0;
	s21 =	simm.s32 $0x200  }
.LBB2_2:
0x45: {  	p1 =	sne.s32 s21, $0xCE00;
	[tilespmem:s15+$0x7A70] =	vst v0  }
0x46: {  	[tilespmem:s15+$0x7A00] =	vst v0  }
0x47: {  	[tilespmem:s15+$0x7A10] =	vst v0  }
.Ltmp2:
0x48: {  	[tilespmem:s15+$0x7A20] =	vst v0;
	(pc) =	sbr.rel @p1 .LBB2_2-.Ltmp2, $4  }
0x49: {  	[tilespmem:s15+$0x7A30] =	vst v0  }
0x4a: {  	[tilespmem:s15+$0x7A40] =	vst v0  }
0x4b: {  	[tilespmem:s15+$0x7A50] =	vst v0  }
0x4c: {  	[tilespmem:s15+$0x7A60] =	vst v0;
	s15 =	sshra.s32 s21, $0x2;
	s21 =	sadd.s32 $0x200, s21  }
0x4d: {  	[tilespmem:s15+$0x7A70] =	vst v0  }
0x4e: {  	[tilespmem:s15+$0x7A00] =	vst v0  }
0x4f: {  	[tilespmem:s15+$0x7A10] =	vst v0  }
0x50: {  	[tilespmem:s15+$0x7A20] =	vst v0  }
0x51: {  	[tilespmem:s15+$0x7A30] =	vst v0  }
0x52: {  	[tilespmem:s15+$0x7A40] =	vst v0  }
0x53: {  	[tilespmem:s15+$0x7A50] =	vst v0  }
0x54: {  	[tilespmem:s15+$0x7A60] =	vst v0  }
0x55: {  	[spmem:s7] =	stream.linear.scatter [tilespmem:s28], [sflag:$0xA], $0x3400, $0x38;
	[tilespmem:$0x1E680] =	vst v63  }
0x56: {  	_ =	swait.ge [sflag:s29], $0x3400  }
0x57: {  	[sflag:s29] =	ssyncset.done $0x0  }
0x58: {  	s17 =	rddreg [dreg:$0x9];
	[sflag:s29] =	ssyncadd.s32 $0xFFFFCC00  }
0x59: {  	[spmem:s17] =	stream.linear.scatter [tilespmem:s28], [sflag:$0xA], $0x3400, $0x38;
	[tilespmem:$0x1E680] =	vst v63  }
0x5a: {  	_ =	swait.ge [sflag:s29], $0x3400  }
0x5b: {  	[sflag:s29] =	ssyncset.done $0x0  }
0x5c: {  	s21 =	rddreg [dreg:$0xa];
	[sflag:s29] =	ssyncadd.s32 $0xFFFFCC00  }
0x5d: {  	[spmem:s21] =	stream.linear.scatter [tilespmem:s28], [sflag:$0xA], $0x3400, $0x38;
	[tilespmem:$0x1E680] =	vst v63  }
0x5e: {  	_ =	swait.ge [sflag:s29], $0x3400  }
0x5f: {  	[sflag:s29] =	ssyncset.done $0x0  }
0x60: {  	s17 =	rddreg [dreg:$0xb];
	[sflag:s29] =	ssyncadd.s32 $0xFFFFCC00  }
0x61: {  	[spmem:s17] =	stream.linear.scatter [tilespmem:s28], [sflag:$0xA], $0x3400, $0x38;
	[tilespmem:$0x1E680] =	vst v63  }
0x62: {  	_ =	swait.ge [sflag:s29], $0x3400  }
0x63: {  	[sflag:s29] =	ssyncset.done $0x0  }
0x64: {  	s21 =	rddreg [dreg:$0xc];
	[sflag:s29] =	ssyncadd.s32 $0xFFFFCC00  }
0x65: {  	[spmem:s21] =	stream.linear.scatter [tilespmem:s28], [sflag:$0xA], $0x3400, $0x38;
	[tilespmem:$0x1E680] =	vst v63  }
0x66: {  	_ =	swait.ge [sflag:s29], $0x3400  }
0x67: {  	[sflag:s29] =	ssyncset.done $0x0  }
0x68: {  	s17 =	rddreg [dreg:$0xd];
	[sflag:s29] =	ssyncadd.s32 $0xFFFFCC00  }
0x69: {  	[spmem:s17] =	stream.linear.scatter [tilespmem:s28], [sflag:$0xA], $0x3400, $0x38;
	[tilespmem:$0x1E680] =	vst v63  }
0x6a: {  	_ =	swait.ge [sflag:s29], $0x3400  }
0x6b: {  	[sflag:s29] =	ssyncset.done $0x0  }
0x6c: {  	s15 =	simm.s32 @!p0 $0x7A00;
	[sflag:s29] =	ssyncadd.s32 $0xFFFFCC00  }
0x6d: {  	[spmem:s14] =	stream.linear.scatter @!p0 [tilespmem:s15], [sflag:$0xA], $0x800, $0x38;
	[tilespmem:$0x1E680] =	vst v63  }
0x6e: {  	s15 =	simm.s32 @!p0 $0xA  }
0x6f: {  	_ =	swait.ge @!p0 [sflag:s15], $0x800  }
0x70: {  	[sflag:s15] =	ssyncset.done @!p0 $0x0  }
0x71: {  	[sflag:s15] =	ssyncadd.s32 @!p0 $0xFFFFF800  }
0x72: {  	[bflag:$0x0] =	sbarrier.arrive $0xFFFF  }
0x73: {  	_ =	swait.ge [sflag:s30], $0x50  }
0x74: {  	[sflag:s30] =	ssyncset.done $0x0  }
0x75: {  	[sflag:s30] =	ssyncadd.s32 $0xFFFFFFB0  }
0x76: {  	_ =	swait.ge [sflag:s31], $0x2800  }
0x77: {  	[sflag:s31] =	ssyncset.done $0x0  }
0x78: {  	s15 =	simm.s32 $0x0;
	[sflag:s31] =	ssyncadd.s32 $0xFFFFD800  }
0x79: {  	[spmem:s2] =	stream.indirect.scatter.add.f32 [tilespmem:s24], [sflag:$0x7], $0x80, s15, s1, $0xb8;
	[tilespmem:$0x1E680] =	vst v63  }
0x7a: {  	s17 =	rddreg [dreg:$0xe]  }
0x7b: {  	[tilespmem:s0], [sflag:$0x3] =	stream.linear.gather [hbm4b:s17+s15], $0x50, $0x38;
	[tilespmem:$0x1E680] =	vst v63  }
0x7c: {  	s21 =	rddreg [dreg:$0xf]  }
0x7d: {  	[tilespmem:s4], [sflag:$0x6] =	stream.linear.gather [hbm4b:s21+s15], $0x2800, $0x38;
	[tilespmem:$0x1E680] =	vst v63  }
0x7e: {  	s21 =	smov.u32 s16  }
.LBB2_4:
0x7f: {  	_ =	swait.ge [sflag:s5], $0x50  }
0x80: {  	[sflag:s5] =	ssyncset.done $0x0  }
0x81: {  	[sflag:s5] =	ssyncadd.s32 $0xFFFFFFB0  }
0x82: {  	_ =	swait.ge [sflag:s6], $0x2800  }
0x83: {  	[sflag:s6] =	ssyncset.done $0x0  }
0x84: {  	[sflag:s6] =	ssyncadd.s32 $0xFFFFD800  }
0x85: {  	[spmem:s2] =	stream.indirect.scatter.add.f32 [tilespmem:s26], [sflag:$0x8], $0x80, s25, s1, $0xb8;
	[tilespmem:$0x1E680] =	vst v63  }
0x86: {  	_ =	swait.ge [sflag:s8], $0x2800  }
0x87: {  	[sflag:s8] =	ssyncset.done $0x0  }
0x88: {  	s17 =	sadd.s32 s15, s23;
	[sflag:s8] =	ssyncadd.s32 $0xFFFFD800  }
0x89: {  	[tilespmem:s3], [sflag:$0x1] =	stream.linear.gather [hbm4b:s17+s3], $0x50, $0x38;
	[tilespmem:$0x1E680] =	vst v63  }
0x8a: {  	s17 =	sadd.s32 $0xFFFFF600, s21  }
0x8b: {  	[tilespmem:s24], [sflag:$0x4] =	stream.linear.gather [hbm4b:s17+s3], $0x2800, $0x38;
	[tilespmem:$0x1E680] =	vst v63  }
0x8c: {  	_ =	swait.ge [sflag:s9], $0x50  }
0x8d: {  	[sflag:s9] =	ssyncset.done $0x0  }
0x8e: {  	[sflag:s9] =	ssyncadd.s32 $0xFFFFFFB0  }
0x8f: {  	_ =	swait.ge [sflag:s10], $0x2800  }
0x90: {  	[sflag:s10] =	ssyncset.done $0x0  }
0x91: {  	[sflag:s10] =	ssyncadd.s32 $0xFFFFD800  }
0x92: {  	[spmem:s2] =	stream.indirect.scatter.add.f32 [tilespmem:s4], [sflag:$0x9], $0x80, s0, s1, $0xb8;
	[tilespmem:$0x1E680] =	vst v63  }
0x93: {  	_ =	swait.ge [sflag:s11], $0x2800  }
0x94: {  	[sflag:s11] =	ssyncset.done $0x0  }
0x95: {  	s17 =	sadd.s32 s15, s22;
	[sflag:s11] =	ssyncadd.s32 $0xFFFFD800  }
0x96: {  	[tilespmem:s25], [sflag:$0x2] =	stream.linear.gather [hbm4b:s17+s3], $0x50, $0x38;
	[tilespmem:$0x1E680] =	vst v63  }
0x97: {  	s17 =	sadd.s32 $0xFFFFFB00, s21  }
0x98: {  	[tilespmem:s26], [sflag:$0x5] =	stream.linear.gather [hbm4b:s17+s3], $0x2800, $0x38;
	[tilespmem:$0x1E680] =	vst v63  }
0x99: {  	_ =	swait.ge [sflag:s30], $0x50  }
0x9a: {  	[sflag:s30] =	ssyncset.done $0x0  }
0x9b: {  	[sflag:s30] =	ssyncadd.s32 $0xFFFFFFB0  }
0x9c: {  	_ =	swait.ge [sflag:s31], $0x2800  }
0x9d: {  	p1 =	seq.s32 s15, $0x4B0;
	[sflag:s31] =	ssyncset.done $0x0  }
.Ltmp3:
0x9e: {  	[sflag:s31] =	ssyncadd.s32 $0xFFFFD800;
	(pc) =	sbr.rel @p1 .LBB2_6-.Ltmp3, $4  }
0x9f: {  	[spmem:s2] =	stream.indirect.scatter.add.f32 [tilespmem:s24], [sflag:$0x7], $0x80, s3, s1, $0xb8;
	[tilespmem:$0x1E680] =	vst v63  }
0xa0: {  	_ =	swait.ge [sflag:s12], $0x2800  }
0xa1: {  	[sflag:s12] =	ssyncset.done $0x0  }
0xa2: {  	[sflag:s12] =	ssyncadd.s32 $0xFFFFD800  }
.Ltmp4:
0xa3: {  	s17 =	sadd.s32 s15, s20;
	(pc) =	sbr.rel .LBB2_4-.Ltmp4, $4  }
0xa4: {  	[tilespmem:s0], [sflag:$0x3] =	stream.linear.gather [hbm4b:s17+s3], $0x50, $0x38;
	[tilespmem:$0x1E680] =	vst v63  }
0xa5: {  	_ = 	snop  }
0xa6: {  	[tilespmem:s4], [sflag:$0x6] =	stream.linear.gather [hbm4b:s21+s3], $0x2800, $0x38;
	[tilespmem:$0x1E680] =	vst v63  }
0xa7: {  	s15 =	sadd.s32 $0x1E, s15;
	s21 =	sadd.s32 $0xF00, s21  }
.LBB2_7:
0xa8: {  	_ =	sfence.sel $0x180000  }
0xa9: {  	[bflag:$0x0] =	sbarrier.arrive $0xFFFF  }
0xaa: {  	_ =	strace $0x90000047  }
0xab: {  	s0 =	stileid.u32;
	[bflag:$0x2] =	sbarrier.arrive $0xFFFF  }
0xac: {  	p0 =	sne.s32 s0, $0x0;
	s0 =	rddreg [dreg:$0x4]  }
0xad: {  	s0 =	sadd.s32 @!p0 $0x100000, s0  }
0xae: {  	[sflag:s0] =	ssyncadd.tile.s32 @!p0 $0x1;
	_ =	shalt  }
.Lfunc_end2:
_tile_overlayer_lowered:
.L_overlay_start_2:
0xaf: {  	(tag) =	ssettag $0x2  }
0xb0: {  	s0 =	rddreg [dreg:$0x0];
	s2 =	stileid.u32  }
0xb1: {  	s1 =	rddreg [dreg:$0x1];
	p0 =	sne.s32 s2, $0x0  }
0xb2: {  	s3 =	rddreg [dreg:$0x2];
	[bflag:$0x3] =	sbarrier.arrive $0xFFFF;
	s2 =	simm.s32 @!p0 $0x1C0A  }
0xb3: {  	[timem:s3], [sflag:s2] =	dma.local @!p0 [hbm:s0], s1  }
0xb4: {  	s0 =	simm.s32 @!p0 $0xA  }
0xb5: {  	_ =	swait.ge @!p0 [sflag:s0], s1  }
0xb6: {  	s1 =	ssub.s32 @!p0 $0x0, s1;
	[sflag:s0] =	ssyncset.done @!p0 $0x0  }
0xb7: {  	[sflag:s0] =	ssyncadd.s32 @!p0 s1  }
0xb8: {  	[bflag:$0x3] =	sbarrier.arrive $0xFFFF  }
0xb9: {  	_ =	shalt  }

</sc_bundles>
